<compile_context>
chip_gen: v7x
topology: tpu7x:2x2x1
jax: 0.10.2.dev20260603
libtpu: 0.0.44.dev20260713+nightly
codegen_flags: <defaults>
</compile_context>

<pallas_src>
import functools

import jax
import jax.numpy as jnp
from jax import lax
from jax.experimental import pallas as pl
from jax.experimental.pallas import tpu as pltpu
from jax.experimental.pallas import tpu_sc as plsc

_B, _S, _D = 4, 8192, 1024
_NC, _NS = 2, 16
_NW = _NC * _NS
_SPW = _S // _NW
_SUB = 4
_NSTEP = _SPW // _SUB
_NV = _D // 16
_NVEC = _SUB * _NV
_LANES = 16

_mesh = plsc.VectorSubcoreMesh(core_axis_name="c", subcore_axis_name="s")


@functools.partial(
    pl.kernel,
    out_type=jax.ShapeDtypeStruct((_B, _S, _D), jnp.float32),
    mesh=_mesh,
    scratch_types=[
        *([pltpu.VMEM((_B, _SUB, _D), jnp.float32)] * 4),
        *([pltpu.VMEM((_SUB, _D), jnp.float32)] * 2),
        *([pltpu.SemaphoreType.DMA] * 10),
    ],
)
def _pos_add(x_hbm, pos_hbm, out_hbm,
             rb0, rb1, rb2, rb3, pb0, pb1,
             sx0, sx1, sx2, sx3, so0, so1, so2, so3,
             sp0, sp1):
    rbufs = (rb0, rb1, rb2, rb3)
    pbufs = (pb0, pb1)
    semx = (sx0, sx1, sx2, sx3)
    semo = (so0, so1, so2, so3)
    semp = (sp0, sp1)

    wid = lax.axis_index("s") * _NC + lax.axis_index("c")
    s0 = wid * _SPW

    def srow_of(s):
        return s0 + s * _SUB

    def start_x(s, p):
        pltpu.async_copy(x_hbm.at[:, pl.ds(srow_of(s), _SUB), :],
                         rbufs[p], semx[p])

    def wait_x(p):
        pltpu.make_async_copy(x_hbm.at[:, pl.ds(0, _SUB), :],
                              rbufs[p], semx[p]).wait()

    def start_p(s, q):
        pltpu.async_copy(pos_hbm.at[pl.ds(srow_of(s), _SUB)],
                         pbufs[q], semp[q])

    def wait_p(q):
        pltpu.make_async_copy(pos_hbm.at[pl.ds(0, _SUB)],
                              pbufs[q], semp[q]).wait()

    def start_o(s, p):
        pltpu.async_copy(rbufs[p],
                         out_hbm.at[:, pl.ds(srow_of(s), _SUB), :], semo[p])

    def wait_o(p):
        pltpu.make_async_copy(rbufs[p],
                              out_hbm.at[:, pl.ds(0, _SUB), :],
                              semo[p]).wait()

    start_p(0, 0)
    start_p(1, 1)
    start_x(0, 0)
    start_x(1, 1)

    def body(g):
        for t in range(4):
            s = g + t
            p = t
            p2 = (t + 2) & 3
            q = t & 1

            if t >= 2:
                wait_o(p2)
            else:
                @pl.when(g > 0)
                def _():
                    wait_o(p2)

            @pl.when(s + 2 < _NSTEP)
            def _():
                start_x(s + 2, p2)

            wait_p(q)
            wait_x(p)

            @plsc.parallel_loop(0, _NVEC, 1, unroll=8)
            def _add(i):
                r = i >> 6
                k = (i & (_NV - 1)) * _LANES
                v = pbufs[q][r, pl.ds(k, _LANES)]
                for b in range(_B):
                    plsc.addupdate(rbufs[p].at[b, r, pl.ds(k, _LANES)], v)

            start_o(s, p)

            @pl.when(s + 2 < _NSTEP)
            def _():
                start_p(s + 2, q)

    pl.loop(0, _NSTEP, step=4)(body)

    wait_o(2)
    wait_o(3)


def kernel(x, pos_table):
    return _pos_add(x, pos_table)

# --- scband reference (transcript-rebuilt; emitter-appended) ---
"""Pipeline reference for scband-positional-encoding-13950053777792 (READ-ONLY COPY).

The authoritative reference and input builder live on the scoring server;
editing this copy changes nothing except your own understanding.
"""

import jax, jax.numpy as jnp
import numpy as np

B, S, D = 4, 8192, 1024
MAX_LEN = 8192

def setup_inputs(seed: int = 0) -> dict:
    key = jax.random.key(seed)
    k1, k2 = jax.random.split(key)
    x = jax.random.normal(k1, (B, S, D), dtype=jnp.float32)
    pos_table = jax.random.normal(k2, (MAX_LEN, D), dtype=jnp.float32) * 0.02
    return {"x": x, "pos_table": pos_table}

def reference(x, pos_table):
    # positions = torch.arange(x.size(1)).unsqueeze(0)
    positions = jnp.arange(x.shape[1])[None, :]
    # embedding lookup -> gather rows from the positional table
    pos_embed = jnp.take(pos_table, positions, axis=0)  # [1, S, D]
    return x + pos_embed

if __name__ == "__main__":
    import jax
    _d = setup_inputs()
    print(jax.jit(kernel)(*tuple(_d.values())))

</pallas_src>

<mosaic_0001>
#map = affine_map<(d0, d1) -> (0, 0, 0)>
#map1 = affine_map<(d0, d1) -> (0, 0)>
module attributes {stable_mosaic.version = 14 : i64} {
  func.func @_pos_add(%arg0: i32, %arg1: i32, %arg2: memref<4x8192x1024xf32, #tpu.memory_space<hbm>>, %arg3: memref<8192x1024xf32, #tpu.memory_space<hbm>>, %arg4: memref<4x8192x1024xf32, #tpu.memory_space<hbm>>, %arg5: memref<4x4x1024xf32, #tpu.memory_space<vmem>>, %arg6: memref<4x4x1024xf32, #tpu.memory_space<vmem>>, %arg7: memref<4x4x1024xf32, #tpu.memory_space<vmem>>, %arg8: memref<4x4x1024xf32, #tpu.memory_space<vmem>>, %arg9: memref<4x1024xf32, #tpu.memory_space<vmem>>, %arg10: memref<4x1024xf32, #tpu.memory_space<vmem>>, %arg11: memref<!tpu.dma_semaphore, #tpu.memory_space<semaphore_mem>>, %arg12: memref<!tpu.dma_semaphore, #tpu.memory_space<semaphore_mem>>, %arg13: memref<!tpu.dma_semaphore, #tpu.memory_space<semaphore_mem>>, %arg14: memref<!tpu.dma_semaphore, #tpu.memory_space<semaphore_mem>>, %arg15: memref<!tpu.dma_semaphore, #tpu.memory_space<semaphore_mem>>, %arg16: memref<!tpu.dma_semaphore, #tpu.memory_space<semaphore_mem>>, %arg17: memref<!tpu.dma_semaphore, #tpu.memory_space<semaphore_mem>>, %arg18: memref<!tpu.dma_semaphore, #tpu.memory_space<semaphore_mem>>, %arg19: memref<!tpu.dma_semaphore, #tpu.memory_space<semaphore_mem>>, %arg20: memref<!tpu.dma_semaphore, #tpu.memory_space<semaphore_mem>>) attributes {dimension_semantics = [#tpu.dimension_semantics<core_parallel>, #tpu.dimension_semantics<subcore_parallel>], iteration_bounds = array<i64: 2, 16>, scalar_prefetch = 0 : i64, scratch_operands = 16 : i64, tpu.core_type = #tpu.core_type<sc_vector_subcore>, window_params = [{transform_indices = #map}, {transform_indices = #map1}, {transform_indices = #map}]} {
    %mul3A = arith.constant 2 : i32
    %mul3A_0 = arith.muli %arg1, %mul3A : i32
    %add3A = arith.addi %mul3A_0, %arg0 : i32
    %mul3A_1 = arith.constant 256 : i32
    %mul3A_2 = arith.muli %add3A, %mul3A_1 : i32
    %add3A_3 = arith.constant 0 : i32
    %add3A_4 = arith.addi %mul3A_2, %add3A_3 : i32
    %dma_start3A = arith.constant 0 : i32
    %dma_start3A_5 = tpu.memref_slice %arg3[%add3A_4, %dma_start3A] : memref<8192x1024xf32, #tpu.memory_space<hbm>> -> memref<4x1024xf32, #tpu.memory_space<hbm>>
    %dma_start3A_6 = arith.constant 0 : i32
    %dma_start3A_7 = tpu.memref_slice %arg3[%add3A_4, %dma_start3A_6] : memref<8192x1024xf32, #tpu.memory_space<hbm>> -> memref<4x1024xf32, #tpu.memory_space<hbm>>
    tpu.enqueue_dma source(%dma_start3A_7 : memref<4x1024xf32, #tpu.memory_space<hbm>>) target(%arg9 : memref<4x1024xf32, #tpu.memory_space<vmem>>) target_semaphore(%arg19 : memref<!tpu.dma_semaphore, #tpu.memory_space<semaphore_mem>>)
    %add3A_8 = arith.constant 4 : i32
    %add3A_9 = arith.addi %mul3A_2, %add3A_8 : i32
    %dma_start3A_10 = arith.constant 0 : i32
    %dma_start3A_11 = tpu.memref_slice %arg3[%add3A_9, %dma_start3A_10] : memref<8192x1024xf32, #tpu.memory_space<hbm>> -> memref<4x1024xf32, #tpu.memory_space<hbm>>
    %dma_start3A_12 = arith.constant 0 : i32
    %dma_start3A_13 = tpu.memref_slice %arg3[%add3A_9, %dma_start3A_12] : memref<8192x1024xf32, #tpu.memory_space<hbm>> -> memref<4x1024xf32, #tpu.memory_space<hbm>>
    tpu.enqueue_dma source(%dma_start3A_13 : memref<4x1024xf32, #tpu.memory_space<hbm>>) target(%arg10 : memref<4x1024xf32, #tpu.memory_space<vmem>>) target_semaphore(%arg20 : memref<!tpu.dma_semaphore, #tpu.memory_space<semaphore_mem>>)
    %add3A_14 = arith.constant 0 : i32
    %add3A_15 = arith.addi %mul3A_2, %add3A_14 : i32
    %dma_start3A_16 = arith.constant 0 : i32
    %dma_start3A_17 = arith.constant 0 : i32
    %dma_start3A_18 = tpu.memref_slice %arg2[%dma_start3A_16, %add3A_15, %dma_start3A_17] : memref<4x8192x1024xf32, #tpu.memory_space<hbm>> -> memref<4x4x1024xf32, #tpu.memory_space<hbm>>
    %dma_start3A_19 = arith.constant 0 : i32
    %dma_start3A_20 = arith.constant 0 : i32
    %dma_start3A_21 = tpu.memref_slice %arg2[%dma_start3A_19, %add3A_15, %dma_start3A_20] : memref<4x8192x1024xf32, #tpu.memory_space<hbm>> -> memref<4x4x1024xf32, #tpu.memory_space<hbm>>
    tpu.enqueue_dma source(%dma_start3A_21 : memref<4x4x1024xf32, #tpu.memory_space<hbm>>) target(%arg5 : memref<4x4x1024xf32, #tpu.memory_space<vmem>>) target_semaphore(%arg11 : memref<!tpu.dma_semaphore, #tpu.memory_space<semaphore_mem>>)
    %add3A_22 = arith.constant 4 : i32
    %add3A_23 = arith.addi %mul3A_2, %add3A_22 : i32
    %dma_start3A_24 = arith.constant 0 : i32
    %dma_start3A_25 = arith.constant 0 : i32
    %dma_start3A_26 = tpu.memref_slice %arg2[%dma_start3A_24, %add3A_23, %dma_start3A_25] : memref<4x8192x1024xf32, #tpu.memory_space<hbm>> -> memref<4x4x1024xf32, #tpu.memory_space<hbm>>
    %dma_start3A_27 = arith.constant 0 : i32
    %dma_start3A_28 = arith.constant 0 : i32
    %dma_start3A_29 = tpu.memref_slice %arg2[%dma_start3A_27, %add3A_23, %dma_start3A_28] : memref<4x8192x1024xf32, #tpu.memory_space<hbm>> -> memref<4x4x1024xf32, #tpu.memory_space<hbm>>
    tpu.enqueue_dma source(%dma_start3A_29 : memref<4x4x1024xf32, #tpu.memory_space<hbm>>) target(%arg6 : memref<4x4x1024xf32, #tpu.memory_space<vmem>>) target_semaphore(%arg12 : memref<!tpu.dma_semaphore, #tpu.memory_space<semaphore_mem>>)
    %scan3A = arith.constant 0 : i32
    %scan3A_30 = arith.constant 16 : i32
    %scan3A_31 = arith.addi %scan3A, %scan3A_30 : i32
    %scan3A_32 = arith.constant 1 : i32
    scf.for %scan3A_49 = %scan3A to %scan3A_31 step %scan3A_32  : i32 {
      %mul3A_50 = arith.constant 4 : i32
      %mul3A_51 = arith.muli %scan3A_49, %mul3A_50 : i32
      %add3A_52 = arith.constant 0 : i32
      %add3A_53 = arith.addi %add3A_52, %mul3A_51 : i32
      %add3A_54 = arith.constant 0 : i32
      %add3A_55 = arith.addi %add3A_53, %add3A_54 : i32
      %gt3A = arith.constant 0 : i32
      %gt3A_56 = arith.cmpi sgt, %add3A_53, %gt3A : i32
      %convert_element_type3A = arith.extui %gt3A_56 : i1 to i32
      %cond3A = arith.constant 0 : i32
      %cond3A_57 = arith.cmpi ne, %convert_element_type3A, %cond3A : i32
      scf.if %cond3A_57 {
        %dma_wait3A_243 = arith.constant 0 : i32
        %dma_wait3A_244 = arith.constant 0 : i32
        %dma_wait3A_245 = arith.constant 0 : i32
        %dma_wait3A_246 = tpu.memref_slice %arg4[%dma_wait3A_243, %dma_wait3A_244, %dma_wait3A_245] : memref<4x8192x1024xf32, #tpu.memory_space<hbm>> -> memref<4x4x1024xf32, #tpu.memory_space<hbm>>
        %dma_wait3A_247 = arith.constant 0 : i32
        %dma_wait3A_248 = arith.constant 0 : i32
        %dma_wait3A_249 = arith.constant 0 : i32
        %dma_wait3A_250 = tpu.memref_slice %arg4[%dma_wait3A_247, %dma_wait3A_248, %dma_wait3A_249] : memref<4x8192x1024xf32, #tpu.memory_space<hbm>> -> memref<4x4x1024xf32, #tpu.memory_space<hbm>>
        tpu.wait_dma2 semaphore(%arg17 : memref<!tpu.dma_semaphore, #tpu.memory_space<semaphore_mem>>) src(%arg7 : memref<4x4x1024xf32, #tpu.memory_space<vmem>>) dst(%dma_wait3A_250 : memref<4x4x1024xf32, #tpu.memory_space<hbm>>)
      } else {
      }
      %add3A_58 = arith.constant 2 : i32
      %add3A_59 = arith.addi %add3A_55, %add3A_58 : i32
      %lt3A = arith.constant 64 : i32
      %lt3A_60 = arith.cmpi slt, %add3A_59, %lt3A : i32
      %convert_element_type3A_61 = arith.extui %lt3A_60 : i1 to i32
      %cond3A_62 = arith.constant 0 : i32
      %cond3A_63 = arith.cmpi ne, %convert_element_type3A_61, %cond3A_62 : i32
      scf.if %cond3A_63 {
        %add3A_243 = arith.constant 2 : i32
        %add3A_244 = arith.addi %add3A_55, %add3A_243 : i32
        %mul3A_245 = arith.constant 4 : i32
        %mul3A_246 = arith.muli %add3A_244, %mul3A_245 : i32
        %add3A_247 = arith.addi %mul3A_2, %mul3A_246 : i32
        %dma_start3A_248 = arith.constant 0 : i32
        %dma_start3A_249 = arith.constant 0 : i32
        %dma_start3A_250 = tpu.memref_slice %arg2[%dma_start3A_248, %add3A_247, %dma_start3A_249] : memref<4x8192x1024xf32, #tpu.memory_space<hbm>> -> memref<4x4x1024xf32, #tpu.memory_space<hbm>>
        %dma_start3A_251 = arith.constant 0 : i32
        %dma_start3A_252 = arith.constant 0 : i32
        %dma_start3A_253 = tpu.memref_slice %arg2[%dma_start3A_251, %add3A_247, %dma_start3A_252] : memref<4x8192x1024xf32, #tpu.memory_space<hbm>> -> memref<4x4x1024xf32, #tpu.memory_space<hbm>>
        tpu.enqueue_dma source(%dma_start3A_253 : memref<4x4x1024xf32, #tpu.memory_space<hbm>>) target(%arg7 : memref<4x4x1024xf32, #tpu.memory_space<vmem>>) target_semaphore(%arg13 : memref<!tpu.dma_semaphore, #tpu.memory_space<semaphore_mem>>)
      } else {
      }
      %dma_wait3A_64 = arith.constant 0 : i32
      %dma_wait3A_65 = arith.constant 0 : i32
      %dma_wait3A_66 = tpu.memref_slice %arg3[%dma_wait3A_64, %dma_wait3A_65] : memref<8192x1024xf32, #tpu.memory_space<hbm>> -> memref<4x1024xf32, #tpu.memory_space<hbm>>
      %dma_wait3A_67 = arith.constant 0 : i32
      %dma_wait3A_68 = arith.constant 0 : i32
      %dma_wait3A_69 = tpu.memref_slice %arg3[%dma_wait3A_67, %dma_wait3A_68] : memref<8192x1024xf32, #tpu.memory_space<hbm>> -> memref<4x1024xf32, #tpu.memory_space<hbm>>
      tpu.wait_dma2 semaphore(%arg19 : memref<!tpu.dma_semaphore, #tpu.memory_space<semaphore_mem>>) src(%dma_wait3A_69 : memref<4x1024xf32, #tpu.memory_space<hbm>>) dst(%arg9 : memref<4x1024xf32, #tpu.memory_space<vmem>>)
      %dma_wait3A_70 = arith.constant 0 : i32
      %dma_wait3A_71 = arith.constant 0 : i32
      %dma_wait3A_72 = arith.constant 0 : i32
      %dma_wait3A_73 = tpu.memref_slice %arg2[%dma_wait3A_70, %dma_wait3A_71, %dma_wait3A_72] : memref<4x8192x1024xf32, #tpu.memory_space<hbm>> -> memref<4x4x1024xf32, #tpu.memory_space<hbm>>
      %dma_wait3A_74 = arith.constant 0 : i32
      %dma_wait3A_75 = arith.constant 0 : i32
      %dma_wait3A_76 = arith.constant 0 : i32
      %dma_wait3A_77 = tpu.memref_slice %arg2[%dma_wait3A_74, %dma_wait3A_75, %dma_wait3A_76] : memref<4x8192x1024xf32, #tpu.memory_space<hbm>> -> memref<4x4x1024xf32, #tpu.memory_space<hbm>>
      tpu.wait_dma2 semaphore(%arg11 : memref<!tpu.dma_semaphore, #tpu.memory_space<semaphore_mem>>) src(%dma_wait3A_77 : memref<4x4x1024xf32, #tpu.memory_space<hbm>>) dst(%arg5 : memref<4x4x1024xf32, #tpu.memory_space<vmem>>)
      %parallel_loop3A = arith.constant 0 : i32
      %parallel_loop3A_78 = arith.constant 256 : i32
      %parallel_loop3A_79 = arith.constant 1 : i32
      scf.for %parallel_loop3A_243 = %parallel_loop3A to %parallel_loop3A_78 step %parallel_loop3A_79  : i32 {
        %parallel_loop3A_244 = arith.constant 6 : i32
        %parallel_loop3A_245 = arith.shrsi %parallel_loop3A_243, %parallel_loop3A_244 : i32
        %parallel_loop3A_246 = arith.constant 63 : i32
        %parallel_loop3A_247 = arith.andi %parallel_loop3A_243, %parallel_loop3A_246 : i32
        %parallel_loop3A_248 = arith.constant 16 : i32
        %parallel_loop3A_249 = arith.muli %parallel_loop3A_247, %parallel_loop3A_248 : i32
        %parallel_loop3A_250 = arith.index_cast %parallel_loop3A_245 : i32 to index
        %parallel_loop3A_251 = arith.index_cast %parallel_loop3A_249 : i32 to index
        %parallel_loop3A_252 = tpu.vector_load %arg9[%parallel_loop3A_250, %parallel_loop3A_251] {strides = array<i32>} : memref<4x1024xf32, #tpu.memory_space<vmem>>, vector<1x16xf32>,
        %parallel_loop3A_253 = vector.shape_cast %parallel_loop3A_252 : vector<1x16xf32> to vector<16xf32>
        %parallel_loop3A_254 = arith.constant 0 : i32
        %parallel_loop3A_255 = arith.index_cast %parallel_loop3A_254 : i32 to index
        %parallel_loop3A_256 = arith.index_cast %parallel_loop3A_245 : i32 to index
        %parallel_loop3A_257 = arith.index_cast %parallel_loop3A_249 : i32 to index
        %parallel_loop3A_258 = tpu.vector_load %arg5[%parallel_loop3A_255, %parallel_loop3A_256, %parallel_loop3A_257] {strides = array<i32>} : memref<4x4x1024xf32, #tpu.memory_space<vmem>>, vector<1x1x16xf32>,
        %parallel_loop3A_259 = vector.shape_cast %parallel_loop3A_258 : vector<1x1x16xf32> to vector<16xf32>
        %parallel_loop3A_260 = vector.shape_cast %parallel_loop3A_253 : vector<16xf32> to vector<1x1x16xf32>
        tpu.vector_store %arg5[%parallel_loop3A_255, %parallel_loop3A_256, %parallel_loop3A_257], %parallel_loop3A_260 {add = true, strides = array<i32>} : memref<4x4x1024xf32, #tpu.memory_space<vmem>>, vector<1x1x16xf32>,
        %parallel_loop3A_261 = arith.constant 1 : i32
        %parallel_loop3A_262 = arith.index_cast %parallel_loop3A_261 : i32 to index
        %parallel_loop3A_263 = arith.index_cast %parallel_loop3A_245 : i32 to index
        %parallel_loop3A_264 = arith.index_cast %parallel_loop3A_249 : i32 to index
        %parallel_loop3A_265 = tpu.vector_load %arg5[%parallel_loop3A_262, %parallel_loop3A_263, %parallel_loop3A_264] {strides = array<i32>} : memref<4x4x1024xf32, #tpu.memory_space<vmem>>, vector<1x1x16xf32>,
        %parallel_loop3A_266 = vector.shape_cast %parallel_loop3A_265 : vector<1x1x16xf32> to vector<16xf32>
        %parallel_loop3A_267 = vector.shape_cast %parallel_loop3A_253 : vector<16xf32> to vector<1x1x16xf32>
        tpu.vector_store %arg5[%parallel_loop3A_262, %parallel_loop3A_263, %parallel_loop3A_264], %parallel_loop3A_267 {add = true, strides = array<i32>} : memref<4x4x1024xf32, #tpu.memory_space<vmem>>, vector<1x1x16xf32>,
        %parallel_loop3A_268 = arith.constant 2 : i32
        %parallel_loop3A_269 = arith.index_cast %parallel_loop3A_268 : i32 to index
        %parallel_loop3A_270 = arith.index_cast %parallel_loop3A_245 : i32 to index
        %parallel_loop3A_271 = arith.index_cast %parallel_loop3A_249 : i32 to index
        %parallel_loop3A_272 = tpu.vector_load %arg5[%parallel_loop3A_269, %parallel_loop3A_270, %parallel_loop3A_271] {strides = array<i32>} : memref<4x4x1024xf32, #tpu.memory_space<vmem>>, vector<1x1x16xf32>,
        %parallel_loop3A_273 = vector.shape_cast %parallel_loop3A_272 : vector<1x1x16xf32> to vector<16xf32>
        %parallel_loop3A_274 = vector.shape_cast %parallel_loop3A_253 : vector<16xf32> to vector<1x1x16xf32>
        tpu.vector_store %arg5[%parallel_loop3A_269, %parallel_loop3A_270, %parallel_loop3A_271], %parallel_loop3A_274 {add = true, strides = array<i32>} : memref<4x4x1024xf32, #tpu.memory_space<vmem>>, vector<1x1x16xf32>,
        %parallel_loop3A_275 = arith.constant 3 : i32
        %parallel_loop3A_276 = arith.index_cast %parallel_loop3A_275 : i32 to index
        %parallel_loop3A_277 = arith.index_cast %parallel_loop3A_245 : i32 to index
        %parallel_loop3A_278 = arith.index_cast %parallel_loop3A_249 : i32 to index
        %parallel_loop3A_279 = tpu.vector_load %arg5[%parallel_loop3A_276, %parallel_loop3A_277, %parallel_loop3A_278] {strides = array<i32>} : memref<4x4x1024xf32, #tpu.memory_space<vmem>>, vector<1x1x16xf32>,
        %parallel_loop3A_280 = vector.shape_cast %parallel_loop3A_279 : vector<1x1x16xf32> to vector<16xf32>
        %parallel_loop3A_281 = vector.shape_cast %parallel_loop3A_253 : vector<16xf32> to vector<1x1x16xf32>
        tpu.vector_store %arg5[%parallel_loop3A_276, %parallel_loop3A_277, %parallel_loop3A_278], %parallel_loop3A_281 {add = true, strides = array<i32>} : memref<4x4x1024xf32, #tpu.memory_space<vmem>>, vector<1x1x16xf32>,
      } {sc.loop_unroll_factor = 8 : i64, sc.parallel_access}
      %mul3A_80 = arith.constant 4 : i32
      %mul3A_81 = arith.muli %add3A_55, %mul3A_80 : i32
      %add3A_82 = arith.addi %mul3A_2, %mul3A_81 : i32
      %dma_start3A_83 = arith.constant 0 : i32
      %dma_start3A_84 = arith.constant 0 : i32
      %dma_start3A_85 = tpu.memref_slice %arg4[%dma_start3A_83, %add3A_82, %dma_start3A_84] : memref<4x8192x1024xf32, #tpu.memory_space<hbm>> -> memref<4x4x1024xf32, #tpu.memory_space<hbm>>
      %dma_start3A_86 = arith.constant 0 : i32
      %dma_start3A_87 = arith.constant 0 : i32
      %dma_start3A_88 = tpu.memref_slice %arg4[%dma_start3A_86, %add3A_82, %dma_start3A_87] : memref<4x8192x1024xf32, #tpu.memory_space<hbm>> -> memref<4x4x1024xf32, #tpu.memory_space<hbm>>
      tpu.enqueue_dma source(%arg5 : memref<4x4x1024xf32, #tpu.memory_space<vmem>>) target(%dma_start3A_88 : memref<4x4x1024xf32, #tpu.memory_space<hbm>>) target_semaphore(%arg15 : memref<!tpu.dma_semaphore, #tpu.memory_space<semaphore_mem>>)
      %add3A_89 = arith.constant 2 : i32
      %add3A_90 = arith.addi %add3A_55, %add3A_89 : i32
      %lt3A_91 = arith.constant 64 : i32
      %lt3A_92 = arith.cmpi slt, %add3A_90, %lt3A_91 : i32
      %convert_element_type3A_93 = arith.extui %lt3A_92 : i1 to i32
      %cond3A_94 = arith.constant 0 : i32
      %cond3A_95 = arith.cmpi ne, %convert_element_type3A_93, %cond3A_94 : i32
      scf.if %cond3A_95 {
        %add3A_243 = arith.constant 2 : i32
        %add3A_244 = arith.addi %add3A_55, %add3A_243 : i32
        %mul3A_245 = arith.constant 4 : i32
        %mul3A_246 = arith.muli %add3A_244, %mul3A_245 : i32
        %add3A_247 = arith.addi %mul3A_2, %mul3A_246 : i32
        %dma_start3A_248 = arith.constant 0 : i32
        %dma_start3A_249 = tpu.memref_slice %arg3[%add3A_247, %dma_start3A_248] : memref<8192x1024xf32, #tpu.memory_space<hbm>> -> memref<4x1024xf32, #tpu.memory_space<hbm>>
        %dma_start3A_250 = arith.constant 0 : i32
        %dma_start3A_251 = tpu.memref_slice %arg3[%add3A_247, %dma_start3A_250] : memref<8192x1024xf32, #tpu.memory_space<hbm>> -> memref<4x1024xf32, #tpu.memory_space<hbm>>
        tpu.enqueue_dma source(%dma_start3A_251 : memref<4x1024xf32, #tpu.memory_space<hbm>>) target(%arg9 : memref<4x1024xf32, #tpu.memory_space<vmem>>) target_semaphore(%arg19 : memref<!tpu.dma_semaphore, #tpu.memory_space<semaphore_mem>>)
      } else {
      }
      %add3A_96 = arith.constant 1 : i32
      %add3A_97 = arith.addi %add3A_53, %add3A_96 : i32
      %gt3A_98 = arith.constant 0 : i32
      %gt3A_99 = arith.cmpi sgt, %add3A_53, %gt3A_98 : i32
      %convert_element_type3A_100 = arith.extui %gt3A_99 : i1 to i32
      %cond3A_101 = arith.constant 0 : i32
      %cond3A_102 = arith.cmpi ne, %convert_element_type3A_100, %cond3A_101 : i32
      scf.if %cond3A_102 {
        %dma_wait3A_243 = arith.constant 0 : i32
        %dma_wait3A_244 = arith.constant 0 : i32
        %dma_wait3A_245 = arith.constant 0 : i32
        %dma_wait3A_246 = tpu.memref_slice %arg4[%dma_wait3A_243, %dma_wait3A_244, %dma_wait3A_245] : memref<4x8192x1024xf32, #tpu.memory_space<hbm>> -> memref<4x4x1024xf32, #tpu.memory_space<hbm>>
        %dma_wait3A_247 = arith.constant 0 : i32
        %dma_wait3A_248 = arith.constant 0 : i32
        %dma_wait3A_249 = arith.constant 0 : i32
        %dma_wait3A_250 = tpu.memref_slice %arg4[%dma_wait3A_247, %dma_wait3A_248, %dma_wait3A_249] : memref<4x8192x1024xf32, #tpu.memory_space<hbm>> -> memref<4x4x1024xf32, #tpu.memory_space<hbm>>
        tpu.wait_dma2 semaphore(%arg18 : memref<!tpu.dma_semaphore, #tpu.memory_space<semaphore_mem>>) src(%arg8 : memref<4x4x1024xf32, #tpu.memory_space<vmem>>) dst(%dma_wait3A_250 : memref<4x4x1024xf32, #tpu.memory_space<hbm>>)
      } else {
      }
      %add3A_103 = arith.constant 2 : i32
      %add3A_104 = arith.addi %add3A_97, %add3A_103 : i32
      %lt3A_105 = arith.constant 64 : i32
      %lt3A_106 = arith.cmpi slt, %add3A_104, %lt3A_105 : i32
      %convert_element_type3A_107 = arith.extui %lt3A_106 : i1 to i32
      %cond3A_108 = arith.constant 0 : i32
      %cond3A_109 = arith.cmpi ne, %convert_element_type3A_107, %cond3A_108 : i32
      scf.if %cond3A_109 {
        %add3A_243 = arith.constant 2 : i32
        %add3A_244 = arith.addi %add3A_97, %add3A_243 : i32
        %mul3A_245 = arith.constant 4 : i32
        %mul3A_246 = arith.muli %add3A_244, %mul3A_245 : i32
        %add3A_247 = arith.addi %mul3A_2, %mul3A_246 : i32
        %dma_start3A_248 = arith.constant 0 : i32
        %dma_start3A_249 = arith.constant 0 : i32
        %dma_start3A_250 = tpu.memref_slice %arg2[%dma_start3A_248, %add3A_247, %dma_start3A_249] : memref<4x8192x1024xf32, #tpu.memory_space<hbm>> -> memref<4x4x1024xf32, #tpu.memory_space<hbm>>
        %dma_start3A_251 = arith.constant 0 : i32
        %dma_start3A_252 = arith.constant 0 : i32
        %dma_start3A_253 = tpu.memref_slice %arg2[%dma_start3A_251, %add3A_247, %dma_start3A_252] : memref<4x8192x1024xf32, #tpu.memory_space<hbm>> -> memref<4x4x1024xf32, #tpu.memory_space<hbm>>
        tpu.enqueue_dma source(%dma_start3A_253 : memref<4x4x1024xf32, #tpu.memory_space<hbm>>) target(%arg8 : memref<4x4x1024xf32, #tpu.memory_space<vmem>>) target_semaphore(%arg14 : memref<!tpu.dma_semaphore, #tpu.memory_space<semaphore_mem>>)
      } else {
      }
      %dma_wait3A_110 = arith.constant 0 : i32
      %dma_wait3A_111 = arith.constant 0 : i32
      %dma_wait3A_112 = tpu.memref_slice %arg3[%dma_wait3A_110, %dma_wait3A_111] : memref<8192x1024xf32, #tpu.memory_space<hbm>> -> memref<4x1024xf32, #tpu.memory_space<hbm>>
      %dma_wait3A_113 = arith.constant 0 : i32
      %dma_wait3A_114 = arith.constant 0 : i32
      %dma_wait3A_115 = tpu.memref_slice %arg3[%dma_wait3A_113, %dma_wait3A_114] : memref<8192x1024xf32, #tpu.memory_space<hbm>> -> memref<4x1024xf32, #tpu.memory_space<hbm>>
      tpu.wait_dma2 semaphore(%arg20 : memref<!tpu.dma_semaphore, #tpu.memory_space<semaphore_mem>>) src(%dma_wait3A_115 : memref<4x1024xf32, #tpu.memory_space<hbm>>) dst(%arg10 : memref<4x1024xf32, #tpu.memory_space<vmem>>)
      %dma_wait3A_116 = arith.constant 0 : i32
      %dma_wait3A_117 = arith.constant 0 : i32
      %dma_wait3A_118 = arith.constant 0 : i32
      %dma_wait3A_119 = tpu.memref_slice %arg2[%dma_wait3A_116, %dma_wait3A_117, %dma_wait3A_118] : memref<4x8192x1024xf32, #tpu.memory_space<hbm>> -> memref<4x4x1024xf32, #tpu.memory_space<hbm>>
      %dma_wait3A_120 = arith.constant 0 : i32
      %dma_wait3A_121 = arith.constant 0 : i32
      %dma_wait3A_122 = arith.constant 0 : i32
      %dma_wait3A_123 = tpu.memref_slice %arg2[%dma_wait3A_120, %dma_wait3A_121, %dma_wait3A_122] : memref<4x8192x1024xf32, #tpu.memory_space<hbm>> -> memref<4x4x1024xf32, #tpu.memory_space<hbm>>
      tpu.wait_dma2 semaphore(%arg12 : memref<!tpu.dma_semaphore, #tpu.memory_space<semaphore_mem>>) src(%dma_wait3A_123 : memref<4x4x1024xf32, #tpu.memory_space<hbm>>) dst(%arg6 : memref<4x4x1024xf32, #tpu.memory_space<vmem>>)
      %parallel_loop3A_124 = arith.constant 0 : i32
      %parallel_loop3A_125 = arith.constant 256 : i32
      %parallel_loop3A_126 = arith.constant 1 : i32
      scf.for %parallel_loop3A_243 = %parallel_loop3A_124 to %parallel_loop3A_125 step %parallel_loop3A_126  : i32 {
        %parallel_loop3A_244 = arith.constant 6 : i32
        %parallel_loop3A_245 = arith.shrsi %parallel_loop3A_243, %parallel_loop3A_244 : i32
        %parallel_loop3A_246 = arith.constant 63 : i32
        %parallel_loop3A_247 = arith.andi %parallel_loop3A_243, %parallel_loop3A_246 : i32
        %parallel_loop3A_248 = arith.constant 16 : i32
        %parallel_loop3A_249 = arith.muli %parallel_loop3A_247, %parallel_loop3A_248 : i32
        %parallel_loop3A_250 = arith.index_cast %parallel_loop3A_245 : i32 to index
        %parallel_loop3A_251 = arith.index_cast %parallel_loop3A_249 : i32 to index
        %parallel_loop3A_252 = tpu.vector_load %arg10[%parallel_loop3A_250, %parallel_loop3A_251] {strides = array<i32>} : memref<4x1024xf32, #tpu.memory_space<vmem>>, vector<1x16xf32>,
        %parallel_loop3A_253 = vector.shape_cast %parallel_loop3A_252 : vector<1x16xf32> to vector<16xf32>
        %parallel_loop3A_254 = arith.constant 0 : i32
        %parallel_loop3A_255 = arith.index_cast %parallel_loop3A_254 : i32 to index
        %parallel_loop3A_256 = arith.index_cast %parallel_loop3A_245 : i32 to index
        %parallel_loop3A_257 = arith.index_cast %parallel_loop3A_249 : i32 to index
        %parallel_loop3A_258 = tpu.vector_load %arg6[%parallel_loop3A_255, %parallel_loop3A_256, %parallel_loop3A_257] {strides = array<i32>} : memref<4x4x1024xf32, #tpu.memory_space<vmem>>, vector<1x1x16xf32>,
        %parallel_loop3A_259 = vector.shape_cast %parallel_loop3A_258 : vector<1x1x16xf32> to vector<16xf32>
        %parallel_loop3A_260 = vector.shape_cast %parallel_loop3A_253 : vector<16xf32> to vector<1x1x16xf32>
        tpu.vector_store %arg6[%parallel_loop3A_255, %parallel_loop3A_256, %parallel_loop3A_257], %parallel_loop3A_260 {add = true, strides = array<i32>} : memref<4x4x1024xf32, #tpu.memory_space<vmem>>, vector<1x1x16xf32>,
        %parallel_loop3A_261 = arith.constant 1 : i32
        %parallel_loop3A_262 = arith.index_cast %parallel_loop3A_261 : i32 to index
        %parallel_loop3A_263 = arith.index_cast %parallel_loop3A_245 : i32 to index
        %parallel_loop3A_264 = arith.index_cast %parallel_loop3A_249 : i32 to index
        %parallel_loop3A_265 = tpu.vector_load %arg6[%parallel_loop3A_262, %parallel_loop3A_263, %parallel_loop3A_264] {strides = array<i32>} : memref<4x4x1024xf32, #tpu.memory_space<vmem>>, vector<1x1x16xf32>,
        %parallel_loop3A_266 = vector.shape_cast %parallel_loop3A_265 : vector<1x1x16xf32> to vector<16xf32>
        %parallel_loop3A_267 = vector.shape_cast %parallel_loop3A_253 : vector<16xf32> to vector<1x1x16xf32>
        tpu.vector_store %arg6[%parallel_loop3A_262, %parallel_loop3A_263, %parallel_loop3A_264], %parallel_loop3A_267 {add = true, strides = array<i32>} : memref<4x4x1024xf32, #tpu.memory_space<vmem>>, vector<1x1x16xf32>,
        %parallel_loop3A_268 = arith.constant 2 : i32
        %parallel_loop3A_269 = arith.index_cast %parallel_loop3A_268 : i32 to index
        %parallel_loop3A_270 = arith.index_cast %parallel_loop3A_245 : i32 to index
        %parallel_loop3A_271 = arith.index_cast %parallel_loop3A_249 : i32 to index
        %parallel_loop3A_272 = tpu.vector_load %arg6[%parallel_loop3A_269, %parallel_loop3A_270, %parallel_loop3A_271] {strides = array<i32>} : memref<4x4x1024xf32, #tpu.memory_space<vmem>>, vector<1x1x16xf32>,
        %parallel_loop3A_273 = vector.shape_cast %parallel_loop3A_272 : vector<1x1x16xf32> to vector<16xf32>
        %parallel_loop3A_274 = vector.shape_cast %parallel_loop3A_253 : vector<16xf32> to vector<1x1x16xf32>
        tpu.vector_store %arg6[%parallel_loop3A_269, %parallel_loop3A_270, %parallel_loop3A_271], %parallel_loop3A_274 {add = true, strides = array<i32>} : memref<4x4x1024xf32, #tpu.memory_space<vmem>>, vector<1x1x16xf32>,
        %parallel_loop3A_275 = arith.constant 3 : i32
        %parallel_loop3A_276 = arith.index_cast %parallel_loop3A_275 : i32 to index
        %parallel_loop3A_277 = arith.index_cast %parallel_loop3A_245 : i32 to index
        %parallel_loop3A_278 = arith.index_cast %parallel_loop3A_249 : i32 to index
        %parallel_loop3A_279 = tpu.vector_load %arg6[%parallel_loop3A_276, %parallel_loop3A_277, %parallel_loop3A_278] {strides = array<i32>} : memref<4x4x1024xf32, #tpu.memory_space<vmem>>, vector<1x1x16xf32>,
        %parallel_loop3A_280 = vector.shape_cast %parallel_loop3A_279 : vector<1x1x16xf32> to vector<16xf32>
        %parallel_loop3A_281 = vector.shape_cast %parallel_loop3A_253 : vector<16xf32> to vector<1x1x16xf32>
        tpu.vector_store %arg6[%parallel_loop3A_276, %parallel_loop3A_277, %parallel_loop3A_278], %parallel_loop3A_281 {add = true, strides = array<i32>} : memref<4x4x1024xf32, #tpu.memory_space<vmem>>, vector<1x1x16xf32>,
      } {sc.loop_unroll_factor = 8 : i64, sc.parallel_access}
      %mul3A_127 = arith.constant 4 : i32
      %mul3A_128 = arith.muli %add3A_97, %mul3A_127 : i32
      %add3A_129 = arith.addi %mul3A_2, %mul3A_128 : i32
      %dma_start3A_130 = arith.constant 0 : i32
      %dma_start3A_131 = arith.constant 0 : i32
      %dma_start3A_132 = tpu.memref_slice %arg4[%dma_start3A_130, %add3A_129, %dma_start3A_131] : memref<4x8192x1024xf32, #tpu.memory_space<hbm>> -> memref<4x4x1024xf32, #tpu.memory_space<hbm>>
      %dma_start3A_133 = arith.constant 0 : i32
      %dma_start3A_134 = arith.constant 0 : i32
      %dma_start3A_135 = tpu.memref_slice %arg4[%dma_start3A_133, %add3A_129, %dma_start3A_134] : memref<4x8192x1024xf32, #tpu.memory_space<hbm>> -> memref<4x4x1024xf32, #tpu.memory_space<hbm>>
      tpu.enqueue_dma source(%arg6 : memref<4x4x1024xf32, #tpu.memory_space<vmem>>) target(%dma_start3A_135 : memref<4x4x1024xf32, #tpu.memory_space<hbm>>) target_semaphore(%arg16 : memref<!tpu.dma_semaphore, #tpu.memory_space<semaphore_mem>>)
      %add3A_136 = arith.constant 2 : i32
      %add3A_137 = arith.addi %add3A_97, %add3A_136 : i32
      %lt3A_138 = arith.constant 64 : i32
      %lt3A_139 = arith.cmpi slt, %add3A_137, %lt3A_138 : i32
      %convert_element_type3A_140 = arith.extui %lt3A_139 : i1 to i32
      %cond3A_141 = arith.constant 0 : i32
      %cond3A_142 = arith.cmpi ne, %convert_element_type3A_140, %cond3A_141 : i32
      scf.if %cond3A_142 {
        %add3A_243 = arith.constant 2 : i32
        %add3A_244 = arith.addi %add3A_97, %add3A_243 : i32
        %mul3A_245 = arith.constant 4 : i32
        %mul3A_246 = arith.muli %add3A_244, %mul3A_245 : i32
        %add3A_247 = arith.addi %mul3A_2, %mul3A_246 : i32
        %dma_start3A_248 = arith.constant 0 : i32
        %dma_start3A_249 = tpu.memref_slice %arg3[%add3A_247, %dma_start3A_248] : memref<8192x1024xf32, #tpu.memory_space<hbm>> -> memref<4x1024xf32, #tpu.memory_space<hbm>>
        %dma_start3A_250 = arith.constant 0 : i32
        %dma_start3A_251 = tpu.memref_slice %arg3[%add3A_247, %dma_start3A_250] : memref<8192x1024xf32, #tpu.memory_space<hbm>> -> memref<4x1024xf32, #tpu.memory_space<hbm>>
        tpu.enqueue_dma source(%dma_start3A_251 : memref<4x1024xf32, #tpu.memory_space<hbm>>) target(%arg10 : memref<4x1024xf32, #tpu.memory_space<vmem>>) target_semaphore(%arg20 : memref<!tpu.dma_semaphore, #tpu.memory_space<semaphore_mem>>)
      } else {
      }
      %add3A_143 = arith.constant 2 : i32
      %add3A_144 = arith.addi %add3A_53, %add3A_143 : i32
      %dma_wait3A_145 = arith.constant 0 : i32
      %dma_wait3A_146 = arith.constant 0 : i32
      %dma_wait3A_147 = arith.constant 0 : i32
      %dma_wait3A_148 = tpu.memref_slice %arg4[%dma_wait3A_145, %dma_wait3A_146, %dma_wait3A_147] : memref<4x8192x1024xf32, #tpu.memory_space<hbm>> -> memref<4x4x1024xf32, #tpu.memory_space<hbm>>
      %dma_wait3A_149 = arith.constant 0 : i32
      %dma_wait3A_150 = arith.constant 0 : i32
      %dma_wait3A_151 = arith.constant 0 : i32
      %dma_wait3A_152 = tpu.memref_slice %arg4[%dma_wait3A_149, %dma_wait3A_150, %dma_wait3A_151] : memref<4x8192x1024xf32, #tpu.memory_space<hbm>> -> memref<4x4x1024xf32, #tpu.memory_space<hbm>>
      tpu.wait_dma2 semaphore(%arg15 : memref<!tpu.dma_semaphore, #tpu.memory_space<semaphore_mem>>) src(%arg5 : memref<4x4x1024xf32, #tpu.memory_space<vmem>>) dst(%dma_wait3A_152 : memref<4x4x1024xf32, #tpu.memory_space<hbm>>)
      %add3A_153 = arith.constant 2 : i32
      %add3A_154 = arith.addi %add3A_144, %add3A_153 : i32
      %lt3A_155 = arith.constant 64 : i32
      %lt3A_156 = arith.cmpi slt, %add3A_154, %lt3A_155 : i32
      %convert_element_type3A_157 = arith.extui %lt3A_156 : i1 to i32
      %cond3A_158 = arith.constant 0 : i32
      %cond3A_159 = arith.cmpi ne, %convert_element_type3A_157, %cond3A_158 : i32
      scf.if %cond3A_159 {
        %add3A_243 = arith.constant 2 : i32
        %add3A_244 = arith.addi %add3A_144, %add3A_243 : i32
        %mul3A_245 = arith.constant 4 : i32
        %mul3A_246 = arith.muli %add3A_244, %mul3A_245 : i32
        %add3A_247 = arith.addi %mul3A_2, %mul3A_246 : i32
        %dma_start3A_248 = arith.constant 0 : i32
        %dma_start3A_249 = arith.constant 0 : i32
        %dma_start3A_250 = tpu.memref_slice %arg2[%dma_start3A_248, %add3A_247, %dma_start3A_249] : memref<4x8192x1024xf32, #tpu.memory_space<hbm>> -> memref<4x4x1024xf32, #tpu.memory_space<hbm>>
        %dma_start3A_251 = arith.constant 0 : i32
        %dma_start3A_252 = arith.constant 0 : i32
        %dma_start3A_253 = tpu.memref_slice %arg2[%dma_start3A_251, %add3A_247, %dma_start3A_252] : memref<4x8192x1024xf32, #tpu.memory_space<hbm>> -> memref<4x4x1024xf32, #tpu.memory_space<hbm>>
        tpu.enqueue_dma source(%dma_start3A_253 : memref<4x4x1024xf32, #tpu.memory_space<hbm>>) target(%arg5 : memref<4x4x1024xf32, #tpu.memory_space<vmem>>) target_semaphore(%arg11 : memref<!tpu.dma_semaphore, #tpu.memory_space<semaphore_mem>>)
      } else {
      }
      %dma_wait3A_160 = arith.constant 0 : i32
      %dma_wait3A_161 = arith.constant 0 : i32
      %dma_wait3A_162 = tpu.memref_slice %arg3[%dma_wait3A_160, %dma_wait3A_161] : memref<8192x1024xf32, #tpu.memory_space<hbm>> -> memref<4x1024xf32, #tpu.memory_space<hbm>>
      %dma_wait3A_163 = arith.constant 0 : i32
      %dma_wait3A_164 = arith.constant 0 : i32
      %dma_wait3A_165 = tpu.memref_slice %arg3[%dma_wait3A_163, %dma_wait3A_164] : memref<8192x1024xf32, #tpu.memory_space<hbm>> -> memref<4x1024xf32, #tpu.memory_space<hbm>>
      tpu.wait_dma2 semaphore(%arg19 : memref<!tpu.dma_semaphore, #tpu.memory_space<semaphore_mem>>) src(%dma_wait3A_165 : memref<4x1024xf32, #tpu.memory_space<hbm>>) dst(%arg9 : memref<4x1024xf32, #tpu.memory_space<vmem>>)
      %dma_wait3A_166 = arith.constant 0 : i32
      %dma_wait3A_167 = arith.constant 0 : i32
      %dma_wait3A_168 = arith.constant 0 : i32
      %dma_wait3A_169 = tpu.memref_slice %arg2[%dma_wait3A_166, %dma_wait3A_167, %dma_wait3A_168] : memref<4x8192x1024xf32, #tpu.memory_space<hbm>> -> memref<4x4x1024xf32, #tpu.memory_space<hbm>>
      %dma_wait3A_170 = arith.constant 0 : i32
      %dma_wait3A_171 = arith.constant 0 : i32
      %dma_wait3A_172 = arith.constant 0 : i32
      %dma_wait3A_173 = tpu.memref_slice %arg2[%dma_wait3A_170, %dma_wait3A_171, %dma_wait3A_172] : memref<4x8192x1024xf32, #tpu.memory_space<hbm>> -> memref<4x4x1024xf32, #tpu.memory_space<hbm>>
      tpu.wait_dma2 semaphore(%arg13 : memref<!tpu.dma_semaphore, #tpu.memory_space<semaphore_mem>>) src(%dma_wait3A_173 : memref<4x4x1024xf32, #tpu.memory_space<hbm>>) dst(%arg7 : memref<4x4x1024xf32, #tpu.memory_space<vmem>>)
      %parallel_loop3A_174 = arith.constant 0 : i32
      %parallel_loop3A_175 = arith.constant 256 : i32
      %parallel_loop3A_176 = arith.constant 1 : i32
      scf.for %parallel_loop3A_243 = %parallel_loop3A_174 to %parallel_loop3A_175 step %parallel_loop3A_176  : i32 {
        %parallel_loop3A_244 = arith.constant 6 : i32
        %parallel_loop3A_245 = arith.shrsi %parallel_loop3A_243, %parallel_loop3A_244 : i32
        %parallel_loop3A_246 = arith.constant 63 : i32
        %parallel_loop3A_247 = arith.andi %parallel_loop3A_243, %parallel_loop3A_246 : i32
        %parallel_loop3A_248 = arith.constant 16 : i32
        %parallel_loop3A_249 = arith.muli %parallel_loop3A_247, %parallel_loop3A_248 : i32
        %parallel_loop3A_250 = arith.index_cast %parallel_loop3A_245 : i32 to index
        %parallel_loop3A_251 = arith.index_cast %parallel_loop3A_249 : i32 to index
        %parallel_loop3A_252 = tpu.vector_load %arg9[%parallel_loop3A_250, %parallel_loop3A_251] {strides = array<i32>} : memref<4x1024xf32, #tpu.memory_space<vmem>>, vector<1x16xf32>,
        %parallel_loop3A_253 = vector.shape_cast %parallel_loop3A_252 : vector<1x16xf32> to vector<16xf32>
        %parallel_loop3A_254 = arith.constant 0 : i32
        %parallel_loop3A_255 = arith.index_cast %parallel_loop3A_254 : i32 to index
        %parallel_loop3A_256 = arith.index_cast %parallel_loop3A_245 : i32 to index
        %parallel_loop3A_257 = arith.index_cast %parallel_loop3A_249 : i32 to index
        %parallel_loop3A_258 = tpu.vector_load %arg7[%parallel_loop3A_255, %parallel_loop3A_256, %parallel_loop3A_257] {strides = array<i32>} : memref<4x4x1024xf32, #tpu.memory_space<vmem>>, vector<1x1x16xf32>,
        %parallel_loop3A_259 = vector.shape_cast %parallel_loop3A_258 : vector<1x1x16xf32> to vector<16xf32>
        %parallel_loop3A_260 = vector.shape_cast %parallel_loop3A_253 : vector<16xf32> to vector<1x1x16xf32>
        tpu.vector_store %arg7[%parallel_loop3A_255, %parallel_loop3A_256, %parallel_loop3A_257], %parallel_loop3A_260 {add = true, strides = array<i32>} : memref<4x4x1024xf32, #tpu.memory_space<vmem>>, vector<1x1x16xf32>,
        %parallel_loop3A_261 = arith.constant 1 : i32
        %parallel_loop3A_262 = arith.index_cast %parallel_loop3A_261 : i32 to index
        %parallel_loop3A_263 = arith.index_cast %parallel_loop3A_245 : i32 to index
        %parallel_loop3A_264 = arith.index_cast %parallel_loop3A_249 : i32 to index
        %parallel_loop3A_265 = tpu.vector_load %arg7[%parallel_loop3A_262, %parallel_loop3A_263, %parallel_loop3A_264] {strides = array<i32>} : memref<4x4x1024xf32, #tpu.memory_space<vmem>>, vector<1x1x16xf32>,
        %parallel_loop3A_266 = vector.shape_cast %parallel_loop3A_265 : vector<1x1x16xf32> to vector<16xf32>
        %parallel_loop3A_267 = vector.shape_cast %parallel_loop3A_253 : vector<16xf32> to vector<1x1x16xf32>
        tpu.vector_store %arg7[%parallel_loop3A_262, %parallel_loop3A_263, %parallel_loop3A_264], %parallel_loop3A_267 {add = true, strides = array<i32>} : memref<4x4x1024xf32, #tpu.memory_space<vmem>>, vector<1x1x16xf32>,
        %parallel_loop3A_268 = arith.constant 2 : i32
        %parallel_loop3A_269 = arith.index_cast %parallel_loop3A_268 : i32 to index
        %parallel_loop3A_270 = arith.index_cast %parallel_loop3A_245 : i32 to index
        %parallel_loop3A_271 = arith.index_cast %parallel_loop3A_249 : i32 to index
        %parallel_loop3A_272 = tpu.vector_load %arg7[%parallel_loop3A_269, %parallel_loop3A_270, %parallel_loop3A_271] {strides = array<i32>} : memref<4x4x1024xf32, #tpu.memory_space<vmem>>, vector<1x1x16xf32>,
        %parallel_loop3A_273 = vector.shape_cast %parallel_loop3A_272 : vector<1x1x16xf32> to vector<16xf32>
        %parallel_loop3A_274 = vector.shape_cast %parallel_loop3A_253 : vector<16xf32> to vector<1x1x16xf32>
        tpu.vector_store %arg7[%parallel_loop3A_269, %parallel_loop3A_270, %parallel_loop3A_271], %parallel_loop3A_274 {add = true, strides = array<i32>} : memref<4x4x1024xf32, #tpu.memory_space<vmem>>, vector<1x1x16xf32>,
        %parallel_loop3A_275 = arith.constant 3 : i32
        %parallel_loop3A_276 = arith.index_cast %parallel_loop3A_275 : i32 to index
        %parallel_loop3A_277 = arith.index_cast %parallel_loop3A_245 : i32 to index
        %parallel_loop3A_278 = arith.index_cast %parallel_loop3A_249 : i32 to index
        %parallel_loop3A_279 = tpu.vector_load %arg7[%parallel_loop3A_276, %parallel_loop3A_277, %parallel_loop3A_278] {strides = array<i32>} : memref<4x4x1024xf32, #tpu.memory_space<vmem>>, vector<1x1x16xf32>,
        %parallel_loop3A_280 = vector.shape_cast %parallel_loop3A_279 : vector<1x1x16xf32> to vector<16xf32>
        %parallel_loop3A_281 = vector.shape_cast %parallel_loop3A_253 : vector<16xf32> to vector<1x1x16xf32>
        tpu.vector_store %arg7[%parallel_loop3A_276, %parallel_loop3A_277, %parallel_loop3A_278], %parallel_loop3A_281 {add = true, strides = array<i32>} : memref<4x4x1024xf32, #tpu.memory_space<vmem>>, vector<1x1x16xf32>,
      } {sc.loop_unroll_factor = 8 : i64, sc.parallel_access}
      %mul3A_177 = arith.constant 4 : i32
      %mul3A_178 = arith.muli %add3A_144, %mul3A_177 : i32
      %add3A_179 = arith.addi %mul3A_2, %mul3A_178 : i32
      %dma_start3A_180 = arith.constant 0 : i32
      %dma_start3A_181 = arith.constant 0 : i32
      %dma_start3A_182 = tpu.memref_slice %arg4[%dma_start3A_180, %add3A_179, %dma_start3A_181] : memref<4x8192x1024xf32, #tpu.memory_space<hbm>> -> memref<4x4x1024xf32, #tpu.memory_space<hbm>>
      %dma_start3A_183 = arith.constant 0 : i32
      %dma_start3A_184 = arith.constant 0 : i32
      %dma_start3A_185 = tpu.memref_slice %arg4[%dma_start3A_183, %add3A_179, %dma_start3A_184] : memref<4x8192x1024xf32, #tpu.memory_space<hbm>> -> memref<4x4x1024xf32, #tpu.memory_space<hbm>>
      tpu.enqueue_dma source(%arg7 : memref<4x4x1024xf32, #tpu.memory_space<vmem>>) target(%dma_start3A_185 : memref<4x4x1024xf32, #tpu.memory_space<hbm>>) target_semaphore(%arg17 : memref<!tpu.dma_semaphore, #tpu.memory_space<semaphore_mem>>)
      %add3A_186 = arith.constant 2 : i32
      %add3A_187 = arith.addi %add3A_144, %add3A_186 : i32
      %lt3A_188 = arith.constant 64 : i32
      %lt3A_189 = arith.cmpi slt, %add3A_187, %lt3A_188 : i32
      %convert_element_type3A_190 = arith.extui %lt3A_189 : i1 to i32
      %cond3A_191 = arith.constant 0 : i32
      %cond3A_192 = arith.cmpi ne, %convert_element_type3A_190, %cond3A_191 : i32
      scf.if %cond3A_192 {
        %add3A_243 = arith.constant 2 : i32
        %add3A_244 = arith.addi %add3A_144, %add3A_243 : i32
        %mul3A_245 = arith.constant 4 : i32
        %mul3A_246 = arith.muli %add3A_244, %mul3A_245 : i32
        %add3A_247 = arith.addi %mul3A_2, %mul3A_246 : i32
        %dma_start3A_248 = arith.constant 0 : i32
        %dma_start3A_249 = tpu.memref_slice %arg3[%add3A_247, %dma_start3A_248] : memref<8192x1024xf32, #tpu.memory_space<hbm>> -> memref<4x1024xf32, #tpu.memory_space<hbm>>
        %dma_start3A_250 = arith.constant 0 : i32
        %dma_start3A_251 = tpu.memref_slice %arg3[%add3A_247, %dma_start3A_250] : memref<8192x1024xf32, #tpu.memory_space<hbm>> -> memref<4x1024xf32, #tpu.memory_space<hbm>>
        tpu.enqueue_dma source(%dma_start3A_251 : memref<4x1024xf32, #tpu.memory_space<hbm>>) target(%arg9 : memref<4x1024xf32, #tpu.memory_space<vmem>>) target_semaphore(%arg19 : memref<!tpu.dma_semaphore, #tpu.memory_space<semaphore_mem>>)
      } else {
      }
      %add3A_193 = arith.constant 3 : i32
      %add3A_194 = arith.addi %add3A_53, %add3A_193 : i32
      %dma_wait3A_195 = arith.constant 0 : i32
      %dma_wait3A_196 = arith.constant 0 : i32
      %dma_wait3A_197 = arith.constant 0 : i32
      %dma_wait3A_198 = tpu.memref_slice %arg4[%dma_wait3A_195, %dma_wait3A_196, %dma_wait3A_197] : memref<4x8192x1024xf32, #tpu.memory_space<hbm>> -> memref<4x4x1024xf32, #tpu.memory_space<hbm>>
      %dma_wait3A_199 = arith.constant 0 : i32
      %dma_wait3A_200 = arith.constant 0 : i32
      %dma_wait3A_201 = arith.constant 0 : i32
      %dma_wait3A_202 = tpu.memref_slice %arg4[%dma_wait3A_199, %dma_wait3A_200, %dma_wait3A_201] : memref<4x8192x1024xf32, #tpu.memory_space<hbm>> -> memref<4x4x1024xf32, #tpu.memory_space<hbm>>
      tpu.wait_dma2 semaphore(%arg16 : memref<!tpu.dma_semaphore, #tpu.memory_space<semaphore_mem>>) src(%arg6 : memref<4x4x1024xf32, #tpu.memory_space<vmem>>) dst(%dma_wait3A_202 : memref<4x4x1024xf32, #tpu.memory_space<hbm>>)
      %add3A_203 = arith.constant 2 : i32
      %add3A_204 = arith.addi %add3A_194, %add3A_203 : i32
      %lt3A_205 = arith.constant 64 : i32
      %lt3A_206 = arith.cmpi slt, %add3A_204, %lt3A_205 : i32
      %convert_element_type3A_207 = arith.extui %lt3A_206 : i1 to i32
      %cond3A_208 = arith.constant 0 : i32
      %cond3A_209 = arith.cmpi ne, %convert_element_type3A_207, %cond3A_208 : i32
      scf.if %cond3A_209 {
        %add3A_243 = arith.constant 2 : i32
        %add3A_244 = arith.addi %add3A_194, %add3A_243 : i32
        %mul3A_245 = arith.constant 4 : i32
        %mul3A_246 = arith.muli %add3A_244, %mul3A_245 : i32
        %add3A_247 = arith.addi %mul3A_2, %mul3A_246 : i32
        %dma_start3A_248 = arith.constant 0 : i32
        %dma_start3A_249 = arith.constant 0 : i32
        %dma_start3A_250 = tpu.memref_slice %arg2[%dma_start3A_248, %add3A_247, %dma_start3A_249] : memref<4x8192x1024xf32, #tpu.memory_space<hbm>> -> memref<4x4x1024xf32, #tpu.memory_space<hbm>>
        %dma_start3A_251 = arith.constant 0 : i32
        %dma_start3A_252 = arith.constant 0 : i32
        %dma_start3A_253 = tpu.memref_slice %arg2[%dma_start3A_251, %add3A_247, %dma_start3A_252] : memref<4x8192x1024xf32, #tpu.memory_space<hbm>> -> memref<4x4x1024xf32, #tpu.memory_space<hbm>>
        tpu.enqueue_dma source(%dma_start3A_253 : memref<4x4x1024xf32, #tpu.memory_space<hbm>>) target(%arg6 : memref<4x4x1024xf32, #tpu.memory_space<vmem>>) target_semaphore(%arg12 : memref<!tpu.dma_semaphore, #tpu.memory_space<semaphore_mem>>)
      } else {
      }
      %dma_wait3A_210 = arith.constant 0 : i32
      %dma_wait3A_211 = arith.constant 0 : i32
      %dma_wait3A_212 = tpu.memref_slice %arg3[%dma_wait3A_210, %dma_wait3A_211] : memref<8192x1024xf32, #tpu.memory_space<hbm>> -> memref<4x1024xf32, #tpu.memory_space<hbm>>
      %dma_wait3A_213 = arith.constant 0 : i32
      %dma_wait3A_214 = arith.constant 0 : i32
      %dma_wait3A_215 = tpu.memref_slice %arg3[%dma_wait3A_213, %dma_wait3A_214] : memref<8192x1024xf32, #tpu.memory_space<hbm>> -> memref<4x1024xf32, #tpu.memory_space<hbm>>
      tpu.wait_dma2 semaphore(%arg20 : memref<!tpu.dma_semaphore, #tpu.memory_space<semaphore_mem>>) src(%dma_wait3A_215 : memref<4x1024xf32, #tpu.memory_space<hbm>>) dst(%arg10 : memref<4x1024xf32, #tpu.memory_space<vmem>>)
      %dma_wait3A_216 = arith.constant 0 : i32
      %dma_wait3A_217 = arith.constant 0 : i32
      %dma_wait3A_218 = arith.constant 0 : i32
      %dma_wait3A_219 = tpu.memref_slice %arg2[%dma_wait3A_216, %dma_wait3A_217, %dma_wait3A_218] : memref<4x8192x1024xf32, #tpu.memory_space<hbm>> -> memref<4x4x1024xf32, #tpu.memory_space<hbm>>
      %dma_wait3A_220 = arith.constant 0 : i32
      %dma_wait3A_221 = arith.constant 0 : i32
      %dma_wait3A_222 = arith.constant 0 : i32
      %dma_wait3A_223 = tpu.memref_slice %arg2[%dma_wait3A_220, %dma_wait3A_221, %dma_wait3A_222] : memref<4x8192x1024xf32, #tpu.memory_space<hbm>> -> memref<4x4x1024xf32, #tpu.memory_space<hbm>>
      tpu.wait_dma2 semaphore(%arg14 : memref<!tpu.dma_semaphore, #tpu.memory_space<semaphore_mem>>) src(%dma_wait3A_223 : memref<4x4x1024xf32, #tpu.memory_space<hbm>>) dst(%arg8 : memref<4x4x1024xf32, #tpu.memory_space<vmem>>)
      %parallel_loop3A_224 = arith.constant 0 : i32
      %parallel_loop3A_225 = arith.constant 256 : i32
      %parallel_loop3A_226 = arith.constant 1 : i32
      scf.for %parallel_loop3A_243 = %parallel_loop3A_224 to %parallel_loop3A_225 step %parallel_loop3A_226  : i32 {
        %parallel_loop3A_244 = arith.constant 6 : i32
        %parallel_loop3A_245 = arith.shrsi %parallel_loop3A_243, %parallel_loop3A_244 : i32
        %parallel_loop3A_246 = arith.constant 63 : i32
        %parallel_loop3A_247 = arith.andi %parallel_loop3A_243, %parallel_loop3A_246 : i32
        %parallel_loop3A_248 = arith.constant 16 : i32
        %parallel_loop3A_249 = arith.muli %parallel_loop3A_247, %parallel_loop3A_248 : i32
        %parallel_loop3A_250 = arith.index_cast %parallel_loop3A_245 : i32 to index
        %parallel_loop3A_251 = arith.index_cast %parallel_loop3A_249 : i32 to index
        %parallel_loop3A_252 = tpu.vector_load %arg10[%parallel_loop3A_250, %parallel_loop3A_251] {strides = array<i32>} : memref<4x1024xf32, #tpu.memory_space<vmem>>, vector<1x16xf32>,
        %parallel_loop3A_253 = vector.shape_cast %parallel_loop3A_252 : vector<1x16xf32> to vector<16xf32>
        %parallel_loop3A_254 = arith.constant 0 : i32
        %parallel_loop3A_255 = arith.index_cast %parallel_loop3A_254 : i32 to index
        %parallel_loop3A_256 = arith.index_cast %parallel_loop3A_245 : i32 to index
        %parallel_loop3A_257 = arith.index_cast %parallel_loop3A_249 : i32 to index
        %parallel_loop3A_258 = tpu.vector_load %arg8[%parallel_loop3A_255, %parallel_loop3A_256, %parallel_loop3A_257] {strides = array<i32>} : memref<4x4x1024xf32, #tpu.memory_space<vmem>>, vector<1x1x16xf32>,
        %parallel_loop3A_259 = vector.shape_cast %parallel_loop3A_258 : vector<1x1x16xf32> to vector<16xf32>
        %parallel_loop3A_260 = vector.shape_cast %parallel_loop3A_253 : vector<16xf32> to vector<1x1x16xf32>
        tpu.vector_store %arg8[%parallel_loop3A_255, %parallel_loop3A_256, %parallel_loop3A_257], %parallel_loop3A_260 {add = true, strides = array<i32>} : memref<4x4x1024xf32, #tpu.memory_space<vmem>>, vector<1x1x16xf32>,
        %parallel_loop3A_261 = arith.constant 1 : i32
        %parallel_loop3A_262 = arith.index_cast %parallel_loop3A_261 : i32 to index
        %parallel_loop3A_263 = arith.index_cast %parallel_loop3A_245 : i32 to index
        %parallel_loop3A_264 = arith.index_cast %parallel_loop3A_249 : i32 to index
        %parallel_loop3A_265 = tpu.vector_load %arg8[%parallel_loop3A_262, %parallel_loop3A_263, %parallel_loop3A_264] {strides = array<i32>} : memref<4x4x1024xf32, #tpu.memory_space<vmem>>, vector<1x1x16xf32>,
        %parallel_loop3A_266 = vector.shape_cast %parallel_loop3A_265 : vector<1x1x16xf32> to vector<16xf32>
        %parallel_loop3A_267 = vector.shape_cast %parallel_loop3A_253 : vector<16xf32> to vector<1x1x16xf32>
        tpu.vector_store %arg8[%parallel_loop3A_262, %parallel_loop3A_263, %parallel_loop3A_264], %parallel_loop3A_267 {add = true, strides = array<i32>} : memref<4x4x1024xf32, #tpu.memory_space<vmem>>, vector<1x1x16xf32>,
        %parallel_loop3A_268 = arith.constant 2 : i32
        %parallel_loop3A_269 = arith.index_cast %parallel_loop3A_268 : i32 to index
        %parallel_loop3A_270 = arith.index_cast %parallel_loop3A_245 : i32 to index
        %parallel_loop3A_271 = arith.index_cast %parallel_loop3A_249 : i32 to index
        %parallel_loop3A_272 = tpu.vector_load %arg8[%parallel_loop3A_269, %parallel_loop3A_270, %parallel_loop3A_271] {strides = array<i32>} : memref<4x4x1024xf32, #tpu.memory_space<vmem>>, vector<1x1x16xf32>,
        %parallel_loop3A_273 = vector.shape_cast %parallel_loop3A_272 : vector<1x1x16xf32> to vector<16xf32>
        %parallel_loop3A_274 = vector.shape_cast %parallel_loop3A_253 : vector<16xf32> to vector<1x1x16xf32>
        tpu.vector_store %arg8[%parallel_loop3A_269, %parallel_loop3A_270, %parallel_loop3A_271], %parallel_loop3A_274 {add = true, strides = array<i32>} : memref<4x4x1024xf32, #tpu.memory_space<vmem>>, vector<1x1x16xf32>,
        %parallel_loop3A_275 = arith.constant 3 : i32
        %parallel_loop3A_276 = arith.index_cast %parallel_loop3A_275 : i32 to index
        %parallel_loop3A_277 = arith.index_cast %parallel_loop3A_245 : i32 to index
        %parallel_loop3A_278 = arith.index_cast %parallel_loop3A_249 : i32 to index
        %parallel_loop3A_279 = tpu.vector_load %arg8[%parallel_loop3A_276, %parallel_loop3A_277, %parallel_loop3A_278] {strides = array<i32>} : memref<4x4x1024xf32, #tpu.memory_space<vmem>>, vector<1x1x16xf32>,
        %parallel_loop3A_280 = vector.shape_cast %parallel_loop3A_279 : vector<1x1x16xf32> to vector<16xf32>
        %parallel_loop3A_281 = vector.shape_cast %parallel_loop3A_253 : vector<16xf32> to vector<1x1x16xf32>
        tpu.vector_store %arg8[%parallel_loop3A_276, %parallel_loop3A_277, %parallel_loop3A_278], %parallel_loop3A_281 {add = true, strides = array<i32>} : memref<4x4x1024xf32, #tpu.memory_space<vmem>>, vector<1x1x16xf32>,
      } {sc.loop_unroll_factor = 8 : i64, sc.parallel_access}
      %mul3A_227 = arith.constant 4 : i32
      %mul3A_228 = arith.muli %add3A_194, %mul3A_227 : i32
      %add3A_229 = arith.addi %mul3A_2, %mul3A_228 : i32
      %dma_start3A_230 = arith.constant 0 : i32
      %dma_start3A_231 = arith.constant 0 : i32
      %dma_start3A_232 = tpu.memref_slice %arg4[%dma_start3A_230, %add3A_229, %dma_start3A_231] : memref<4x8192x1024xf32, #tpu.memory_space<hbm>> -> memref<4x4x1024xf32, #tpu.memory_space<hbm>>
      %dma_start3A_233 = arith.constant 0 : i32
      %dma_start3A_234 = arith.constant 0 : i32
      %dma_start3A_235 = tpu.memref_slice %arg4[%dma_start3A_233, %add3A_229, %dma_start3A_234] : memref<4x8192x1024xf32, #tpu.memory_space<hbm>> -> memref<4x4x1024xf32, #tpu.memory_space<hbm>>
      tpu.enqueue_dma source(%arg8 : memref<4x4x1024xf32, #tpu.memory_space<vmem>>) target(%dma_start3A_235 : memref<4x4x1024xf32, #tpu.memory_space<hbm>>) target_semaphore(%arg18 : memref<!tpu.dma_semaphore, #tpu.memory_space<semaphore_mem>>)
      %add3A_236 = arith.constant 2 : i32
      %add3A_237 = arith.addi %add3A_194, %add3A_236 : i32
      %lt3A_238 = arith.constant 64 : i32
      %lt3A_239 = arith.cmpi slt, %add3A_237, %lt3A_238 : i32
      %convert_element_type3A_240 = arith.extui %lt3A_239 : i1 to i32
      %cond3A_241 = arith.constant 0 : i32
      %cond3A_242 = arith.cmpi ne, %convert_element_type3A_240, %cond3A_241 : i32
      scf.if %cond3A_242 {
        %add3A_243 = arith.constant 2 : i32
        %add3A_244 = arith.addi %add3A_194, %add3A_243 : i32
        %mul3A_245 = arith.constant 4 : i32
        %mul3A_246 = arith.muli %add3A_244, %mul3A_245 : i32
        %add3A_247 = arith.addi %mul3A_2, %mul3A_246 : i32
        %dma_start3A_248 = arith.constant 0 : i32
        %dma_start3A_249 = tpu.memref_slice %arg3[%add3A_247, %dma_start3A_248] : memref<8192x1024xf32, #tpu.memory_space<hbm>> -> memref<4x1024xf32, #tpu.memory_space<hbm>>
        %dma_start3A_250 = arith.constant 0 : i32
        %dma_start3A_251 = tpu.memref_slice %arg3[%add3A_247, %dma_start3A_250] : memref<8192x1024xf32, #tpu.memory_space<hbm>> -> memref<4x1024xf32, #tpu.memory_space<hbm>>
        tpu.enqueue_dma source(%dma_start3A_251 : memref<4x1024xf32, #tpu.memory_space<hbm>>) target(%arg10 : memref<4x1024xf32, #tpu.memory_space<vmem>>) target_semaphore(%arg20 : memref<!tpu.dma_semaphore, #tpu.memory_space<semaphore_mem>>)
      } else {
      }
    }
    %scan3A_33 = arith.constant 16 : i32
    %dma_wait3A = arith.constant 0 : i32
    %dma_wait3A_34 = arith.constant 0 : i32
    %dma_wait3A_35 = arith.constant 0 : i32
    %dma_wait3A_36 = tpu.memref_slice %arg4[%dma_wait3A, %dma_wait3A_34, %dma_wait3A_35] : memref<4x8192x1024xf32, #tpu.memory_space<hbm>> -> memref<4x4x1024xf32, #tpu.memory_space<hbm>>
    %dma_wait3A_37 = arith.constant 0 : i32
    %dma_wait3A_38 = arith.constant 0 : i32
    %dma_wait3A_39 = arith.constant 0 : i32
    %dma_wait3A_40 = tpu.memref_slice %arg4[%dma_wait3A_37, %dma_wait3A_38, %dma_wait3A_39] : memref<4x8192x1024xf32, #tpu.memory_space<hbm>> -> memref<4x4x1024xf32, #tpu.memory_space<hbm>>
    tpu.wait_dma2 semaphore(%arg17 : memref<!tpu.dma_semaphore, #tpu.memory_space<semaphore_mem>>) src(%arg7 : memref<4x4x1024xf32, #tpu.memory_space<vmem>>) dst(%dma_wait3A_40 : memref<4x4x1024xf32, #tpu.memory_space<hbm>>)
    %dma_wait3A_41 = arith.constant 0 : i32
    %dma_wait3A_42 = arith.constant 0 : i32
    %dma_wait3A_43 = arith.constant 0 : i32
    %dma_wait3A_44 = tpu.memref_slice %arg4[%dma_wait3A_41, %dma_wait3A_42, %dma_wait3A_43] : memref<4x8192x1024xf32, #tpu.memory_space<hbm>> -> memref<4x4x1024xf32, #tpu.memory_space<hbm>>
    %dma_wait3A_45 = arith.constant 0 : i32
    %dma_wait3A_46 = arith.constant 0 : i32
    %dma_wait3A_47 = arith.constant 0 : i32
    %dma_wait3A_48 = tpu.memref_slice %arg4[%dma_wait3A_45, %dma_wait3A_46, %dma_wait3A_47] : memref<4x8192x1024xf32, #tpu.memory_space<hbm>> -> memref<4x4x1024xf32, #tpu.memory_space<hbm>>
    tpu.wait_dma2 semaphore(%arg18 : memref<!tpu.dma_semaphore, #tpu.memory_space<semaphore_mem>>) src(%arg8 : memref<4x4x1024xf32, #tpu.memory_space<vmem>>) dst(%dma_wait3A_48 : memref<4x4x1024xf32, #tpu.memory_space<hbm>>)
    return
  }
}

</mosaic_0001>

<sc_bundles>
// kernel: kernel.3.cloned.1.call-start
scs
__scs_entry_jumppad:
0x0: {  	(pc) =	sbr.rel $0x88, $3  }
0x1: {  	(tag) =	ssettag $0x0;
	lr =	simm.s32 $0x1  }
0x2: {  	[smem:$0x3F9F] =	sst lr;
	_ =	strace $0xD0000000  }
0x3: {  	_ = 	snop  }
0x4: {  	_ = 	snop  }
0x5: {  	_ = 	snop  }
0x6: {  	_ = 	snop  }
0x7: {  	_ = 	snop  }
__scs_overlays_trampoline_lowered:
0x8: {  	[smem:$0x3FAE] =	sst s0  }
0x9: {  	[smem:$0x3FAF] =	sst s1  }
0xa: {  	[smem:$0x3FB0] =	sst s2  }
0xb: {  	[smem:$0x3FB1] =	sst s3  }
0xc: {  	[smem:$0x3FB2] =	sst s4  }
0xd: {  	[smem:$0x3FB3] =	sst s5  }
0xe: {  	[smem:$0x3FB4] =	sst s6  }
0xf: {  	[smem:$0x3FB5] =	sst s7  }
0x10: {  	[smem:$0x3FB6] =	sst s8  }
0x11: {  	[smem:$0x3FB7] =	sst s9;
	s0 =	simm.s32 @!p0 $0x0  }
0x12: {  	s1 =	sld [smem:$0x3F9D];
	s0 =	simm.s32 @p0 $0x1  }
0x13: {  	[smem:$0x3FB8] =	sst s0;
	s0 =	simm.s32 @!p1 $0x0  }
0x14: {  	s2 =	sld [smem:$0x3F9C];
	s0 =	simm.s32 @p1 $0x1  }
0x15: {  	[smem:$0x3FB9] =	sst s0;
	s0 =	simm.s32 @!p2 $0x0  }
0x16: {  	s3 =	sld [smem:$0x3FDB];
	s0 =	simm.s32 @p2 $0x1  }
0x17: {  	s4 =	simm.s32 $0x1BF5;
	[smem:$0x3FBB] =	sst s0  }
0x18: {  	s0 =	sld [smem:$0x3F9E];
	_ =	swait.ge [sflag:s4], $0x0  }
0x19: {  	s7 =	sld [smem:$0x3F9F]  }
0x1a: {  	s8 =	sadd.s32 $0xFFFFE003, lr  }
0x1b: {  	s9 =	sadd.s32 $0xFFFFFEF7, lr;
	s5 =	simm.s32 $0xFFFFFFFF;
	p2 =	slt.u32 s8, $0xFFFFF086  }
0x1c: {  	p1 =	slt.u32 s9, $0xF7A;
	s5 =	simm.s32 @!p2 $0x0  }
0x1d: {  	s5 =	simm.s32 @p1 $0x1;
	p0 =	seq.s32 s7, s2  }
0x1e: {  	s7 =	smul.u32 @!p0 $0xF7A, s2;
	p2 =	seq.s32 @!p0 s5, $0x0  }
0x1f: {  	s9 =	smul.u32 $0xF7A, s1;
	s8 =	simm.s32 @!p0 $0x1BF5;
	p2 =	por !p2, p0  }
0x20: {  	[sflag:s8] =	ssyncset.s32 @!p0 $0xFFFFF086;
	s6 =	sadd.s32 @!p0 s3, s7;
	s7 =	simm.s32 @!p0 $0x108  }
0x21: {  	s3 =	sadd.s32 s3, s9;
	s6 =	sadd.s32 @!p0 $0x88, s6;
	s7 =	simm.s32 @p2 $0x1082  }
0x22: {  	[simem:s7], [sflag:s8] =	dma.local @!p0 [hbm:s6], $0xF7A  }
0x23: {  	s9 =	sor.u32 $0xD0000000, s2;
	s6 =	simm.s32 $0x108;
	_ =	swait.ge @!p0 [sflag:s8], $0x0  }
0x24: {  	s3 =	sadd.s32 $0x88, s3;
	s6 =	simm.s32 @!p1 $0x1082;
	[sflag:s4] =	ssyncset.s32 $0xFFFFF086  }
0x25: {  	[simem:s6], [sflag:s4] =	dma.local [hbm:s3], $0xF7A  }
0x26: {  	[smem:$0x3F9F] =	sst s1;
	(tag) =	ssettag s2;
	_ =	strace s9  }
0x27: {  	s1 =	sld [smem:$0x3FAF]  }
0x28: {  	s2 =	sld [smem:$0x3FB0]  }
0x29: {  	s4 =	sld [smem:$0x3FB2]  }
0x2a: {  	p0 =	seq.s32 s5, $0x0;
	s5 =	sld [smem:$0x3FB3]  }
0x2b: {  	s6 =	sld [smem:$0x3FB4]  }
0x2c: {  	s7 =	sld [smem:$0x3FB5]  }
0x2d: {  	s3 =	simm.s32 $0x108;
	s8 =	sld [smem:$0x3FB6]  }
0x2e: {  	s3 =	simm.s32 @!p0 $0x1082;
	s9 =	sld [smem:$0x3FB7]  }
0x2f: {  	lr =	sadd.s32 s0, s3;
	s0 =	sld [smem:$0x3FAE]  }
0x30: {  	s3 =	sld [smem:$0x3FB1]  }
0x31: {  	[smem:$0x3FBA] =	sst s10  }
0x32: {  	s10 =	sld [smem:$0x3FB8];
	_ =	sdelay $0x3  }
0x33: {  	p0 =	seq.s32 s10, $0x1;
	s10 =	sld [smem:$0x3FBA];
	_ =	sdelay $0x3  }
0x34: {  	[smem:$0x3FBA] =	sst s10  }
0x35: {  	s10 =	sld [smem:$0x3FB9];
	_ =	sdelay $0x3  }
0x36: {  	p1 =	seq.s32 s10, $0x1;
	s10 =	sld [smem:$0x3FBA];
	_ =	sdelay $0x3  }
0x37: {  	[smem:$0x3FBA] =	sst s10  }
0x38: {  	s10 =	sld [smem:$0x3FBB]  }
0x39: {  	_ = 	snop;
	(pc) =	sbr.ind lr, $3  }
0x3a: {  	_ = 	snop  }
0x3b: {  	_ = 	snop  }
0x3c: {  	p2 =	seq.s32 s10, $0x1;
	s10 =	sld [smem:$0x3FBA]  }
0x3d: {  	_ =	shalt  }
0x3e: {  	_ =	shalt  }
0x3f: {  	_ =	shalt  }
0x40: {  	_ =	shalt  }
0x41: {  	_ =	shalt  }
0x42: {  	_ =	shalt  }
0x43: {  	_ =	shalt  }
0x44: {  	_ =	shalt  }
0x45: {  	_ =	shalt  }
0x46: {  	_ =	shalt  }
0x47: {  	_ =	shalt  }
0x48: {  	_ =	shalt  }
0x49: {  	_ =	shalt  }
0x4a: {  	_ =	shalt  }
0x4b: {  	_ =	shalt  }
0x4c: {  	_ =	shalt  }
0x4d: {  	_ =	shalt  }
0x4e: {  	_ =	shalt  }
0x4f: {  	_ =	shalt  }
0x50: {  	_ =	shalt  }
0x51: {  	_ =	shalt  }
0x52: {  	_ =	shalt  }
0x53: {  	_ =	shalt  }
0x54: {  	_ =	shalt  }
0x55: {  	_ =	shalt  }
0x56: {  	_ =	shalt  }
0x57: {  	_ =	shalt  }
0x58: {  	_ =	shalt  }
0x59: {  	_ =	shalt  }
0x5a: {  	_ =	shalt  }
0x5b: {  	_ =	shalt  }
0x5c: {  	_ =	shalt  }
0x5d: {  	_ =	shalt  }
0x5e: {  	_ =	shalt  }
0x5f: {  	_ =	shalt  }
0x60: {  	_ =	shalt  }
0x61: {  	_ =	shalt  }
0x62: {  	_ =	shalt  }
0x63: {  	_ =	shalt  }
0x64: {  	_ =	shalt  }
0x65: {  	_ =	shalt  }
0x66: {  	_ =	shalt  }
0x67: {  	_ =	shalt  }
0x68: {  	_ =	shalt  }
0x69: {  	_ =	shalt  }
0x6a: {  	_ =	shalt  }
0x6b: {  	_ =	shalt  }
0x6c: {  	_ =	shalt  }
0x6d: {  	_ =	shalt  }
0x6e: {  	_ =	shalt  }
0x6f: {  	_ =	shalt  }
0x70: {  	_ =	shalt  }
0x71: {  	_ =	shalt  }
0x72: {  	_ =	shalt  }
0x73: {  	_ =	shalt  }
0x74: {  	_ =	shalt  }
0x75: {  	_ =	shalt  }
0x76: {  	_ =	shalt  }
0x77: {  	_ =	shalt  }
0x78: {  	_ =	shalt  }
0x79: {  	_ =	shalt  }
0x7a: {  	_ =	shalt  }
0x7b: {  	_ =	shalt  }
0x7c: {  	_ =	shalt  }
0x7d: {  	_ =	shalt  }
0x7e: {  	_ =	shalt  }
0x7f: {  	_ =	shalt  }
0x80: {  	_ =	shalt  }
0x81: {  	_ =	shalt  }
0x82: {  	_ =	shalt  }
0x83: {  	_ =	shalt  }
0x84: {  	_ =	shalt  }
0x85: {  	_ =	shalt  }
0x86: {  	_ =	shalt  }
0x87: {  	_ =	shalt  }
.Lfunc_end0:
.L_simem_size_0:
called_computation_lowered:
.L_overlay_start_0:
0x88: {  	s2 =	sld [smem:$0x3FD9]  }
0x89: {  	s3 =	sld [smem:$0x3FFE];
	_ =	sdelay $0x1  }
0x8a: {  	s1 =	srdreg.scid  }
0x8b: {  	s0 =	sand.u32 $0x1, s1  }
0x8c: {  	s18 =	sshll.u32 s0, $0xA;
	s2 =	sadd.s32 s3, s2  }
0x8d: {  	s2 =	sadd.s32 s2, s18  }
0x8e: {  	[smem:$0x3FC6] =	sst s2  }
0x8f: {  	_ = 	snop  }
0x90: {  	s2 =	sld [smem:$0x3FC9]  }
0x91: {  	s19 =	sld [smem:$0x3FC8]  }
0x92: {  	s4 =	sld [smem:$0x3FD0];
	(tm) =	ssettm $0x1  }
0x93: {  	s5 =	sld [smem:$0x3FFB];
	_ =	sdelay $0x3  }
0x94: {  	_ =	strace s5  }
0x95: {  	s5 =	sld [smem:$0x3FFC];
	_ =	sdelay $0x3  }
0x96: {  	_ =	strace s5  }
0x97: {  	s5 =	sld [smem:$0x3FFD];
	_ =	sdelay $0x3  }
0x98: {  	_ =	strace s5  }
0x99: {  	_ =	strace $0x8FFFFFFF  }
0x9a: {  	s20 =	sld [smem:$0x3FDB];
	_ =	sdelay $0x1  }
0x9b: {  	s6 =	simm.s32 $_scs_section_size  }
0x9c: {  	s7 =	simm.s32 $_size__tile_overlayer_lowered;
	s8 =	simm.s32 $_tile_overlayer_lowered  }
0x9d: {  	s23 =	simm.s32 $0x1BFF;
	s22 =	sshll.u32 s8, $0x1;
	s5 =	sadd.s32 s6, s20  }
0x9e: {  	s9 =	simm.s32 $0x0;
	s21 =	sshll.u32 s7, $0x1;
	s7 =	sadd.s32 s22, s5  }
0x9f: {  	[timem:s9], [sflag:s23] =	dma.local [hbm:s7], s21  }
0xa0: {  	_ =	swait.ge [sflag:s23], s21  }
0xa1: {  	s6 =	ssub.s32 $0x0, s21;
	[sflag:s23] =	ssyncset.done $0x0  }
0xa2: {  	[sflag:s23] =	ssyncadd.s32 s6;
	_ =	sdelay $0x1  }
0xa3: {  	s24 =	simm.s32 $0x1B8B  }
0xa4: {  	_ =	swait.ge [sflag:s24], $0x1  }
0xa5: {  	[sflag:s24] =	ssyncset.done $0x0  }
0xa6: {  	s25 =	simm.s32 $0x1B8E;
	[sflag:s24] =	ssyncadd.s32 $0xFFFFFFFF  }
0xa7: {  	s26 =	simm.s32 $execute0_lowered;
	[smem:$0x3FD2] =	sst s25  }
0xa8: {  	s6 =	sshll.u32 s26, $0x1;
	_ =	strace $0x80000046;
	[dreg:$0x1] =	wrdreg $0xFFFFFFFF  }
0xa9: {  	s28 =	simm.s32 $_size_execute0_lowered;
	s5 =	sadd.s32 s5, s6;
	[dreg:$0x0] =	wrdreg $0x0  }
0xaa: {  	s6 =	sshll.u32 s28, $0x1;
	[dreg:$0x2] =	wrdreg s5  }
0xab: {  	[dreg:$0x3] =	wrdreg s6  }
0xac: {  	[dreg:$0x4] =	wrdreg $0xC0  }
0xad: {  	_ =	task [dreg:s9], $0x5FFFF  }
0xae: {  	[dreg:$0x1] =	wrdreg $0xFFFFFFFF  }
0xaf: {  	[dreg:$0x0] =	wrdreg $0x60  }
0xb0: {  	[dreg:$0x2] =	wrdreg s2  }
0xb1: {  	[dreg:$0x3] =	wrdreg s19  }
0xb2: {  	[dreg:$0x4] =	wrdreg s4  }
0xb3: {  	[dreg:$0x5] =	wrdreg $0x9  }
0xb4: {  	_ =	task.clear_ibuf [dreg:s9], $0x6FFFF;
	_ =	strace $0x90000046  }
0xb5: {  	s29 =	simm.s32 $0x9;
	_ =	strace $0x80000048  }
0xb6: {  	_ =	swait.ge [sflag:s29], $0x1  }
0xb7: {  	[sflag:s29] =	ssyncadd.s32 $0xFFFFFFFF  }
0xb8: {  	_ =	strace $0x90000048  }
0xb9: {  	_ =	sfence  }
0xba: {  	s30 =	sld [smem:$0x0];
	_ =	sdelay $0x2  }
0xbb: {  	s31 =	sshll.u32 s1, $0xD;
	s1 =	sshrl.u32 s1, $0x2  }
0xbc: {  	s3 =	sand.u32 $0x4000, s31;
	s1 =	sadd.s32 s1, s30  }
0xbd: {  	s0 =	sor.u32 s3, s0;
	s1 =	sshll.u32 s1, $0x11  }
0xbe: {  	s0 =	sor.u32 s1, s0  }
0xbf: {  	s0 =	sadd.s32 $0x8F2B, s0  }
0xc0: {  	[sflag:s0] =	ssyncadd.remote.s32 $0x1  }
0xc1: {  	_ =	sfence.sel $0xFFFF  }
0xc2: {  	[dreg:$0x0] =	wrdreg $0xFFFFFFFF;
	(pc) =	sbr.abs _section_cstart, $3  }
0xc3: {  	[dreg:$0x1] =	wrdreg $0xFFFFFFFF  }
0xc4: {  	_ =	task.clear_ibuf [dreg:s9], $0x2FFFF;
	_ =	strace $0x9FFFFFFF  }
0xc5: {  	(tm) =	ssettm $0x7FFFFFFF  }
tec
execute0_lowered:
.L_overlay_start_1:
0x0: {  	(tag) =	ssettag $0x1  }
0x1: {  	s3 =	rddreg [dreg:$0x0]  }
0x2: {  	s5 =	rddreg [dreg:$0x1]  }
0x3: {  	s6 =	rddreg [dreg:$0x2];
	s1 =	simm.s32 $0x0;
	s0 =	srdreg.scid  }
0x4: {  	s2 =	stileid.u32;
	[smem:$0x7FF] =	sst s1;
	s0 =	sand.u32 $0x1, s0  }
0x5: {  	s2 =	sshll.u32 s2, $0x10;
	s22 =	sadd.s32 $0x40, s6;
	s23 =	sadd.s32 $0x40, s3  }
0x6: {  	s24 =	sadd.s32 $0x40, s5;
	_ =	strace $0x80000047;
	[dreg:$0xe] =	wrdreg s22  }
0x7: {  	s16 =	ssub.s32 $0x2, s0;
	s0 =	sshll.u32 s0, $0xF;
	[dreg:$0xf] =	wrdreg s23  }
0x8: {  	[dreg:$0x10] =	wrdreg s24;
	s2 =	sor.u32 s0, s2  }
0x9: {  	s18 =	sadd.s32 s5, s2;
	[dreg:$0x7] =	wrdreg s2  }
0xa: {  	s19 =	sor.u32 $0x40, s2;
	s7 =	sor.u32 $0x400, s2;
	[dreg:$0x8] =	wrdreg s18  }
0xb: {  	s21 =	sadd.s32 s3, s2;
	s2 =	sor.u32 $0x440, s2;
	[dreg:$0xc] =	wrdreg s7  }
0xc: {  	s4 =	sshrl.u32 s16, $0x1;
	[dreg:$0xd] =	wrdreg s2  }
0xd: {  	s17 =	ssub.s32 s16, s4;
	s20 =	sadd.s32 s5, s19;
	[dreg:$0xa] =	wrdreg s21  }
0xe: {  	s0 =	smax.u32 s17, $0x1;
	[dreg:$0x9] =	wrdreg s20  }
0xf: {  	s25 =	sadd.s32 $0x100000, s21;
	[dreg:$0x11] =	wrdreg s0  }
0x10: {  	s26 =	sadd.s32 $0x200000, s21;
	[dreg:$0x12] =	wrdreg s25  }
0x11: {  	s28 =	sadd.s32 $0x300000, s21;
	[dreg:$0x13] =	wrdreg s26  }
.Ltmp0:
0x12: {  	s1 =	sadd.s32 s3, s19;
	[dreg:$0x14] =	wrdreg s28;
	(pc) =	sbr.rel .LBB2_1-.Ltmp0, $4  }
0x13: {  	s29 =	sadd.s32 $0x100000, s1;
	[dreg:$0xb] =	wrdreg s1  }
0x14: {  	s30 =	sadd.s32 $0x200000, s1;
	[dreg:$0x15] =	wrdreg s29  }
0x15: {  	s4 =	simm.s32 $0x400;
	s31 =	sadd.s32 $0x300000, s1;
	[dreg:$0x16] =	wrdreg s30  }
0x16: {  	s3 =	simm.s32 $0x200;
	s2 =	simm.s32 $0x0;
	[dreg:$0x17] =	wrdreg s31  }
.LBB2_12:
0x17: {  	s0 =	simm.s32 $0x7  }
0x18: {  	_ =	swait.ge [sflag:s0], $0x4000  }
0x19: {  	[sflag:s0] =	ssyncset.done $0x0  }
0x1a: {  	s1 =	simm.s32 $0x8;
	[sflag:s0] =	ssyncadd.s32 $0xFFFFC000  }
0x1b: {  	_ =	swait.ge [sflag:s1], $0x4000  }
0x1c: {  	s2 =	rddreg [dreg:$0x18]  }
0x1d: {  	s31 =	rddreg [dreg:$0x11];
	s2 =	sadd.s32 $0x1, s2  }
0x1e: {  	p0 =	sne.s32 s2, s31  }
.Ltmp1:
0x1f: {  	_ = 	snop;
	(pc) =	sbr.rel @!p0 .LBB2_13-.Ltmp1, $3  }
0x20: {  	_ =	sdelay $0x1  }
0x21: {  	[sflag:s1] =	ssyncset.done $0x0  }
0x22: {  	[sflag:s1] =	ssyncadd.s32 $0xFFFFC000  }
.LBB2_1:
0x23: {  	[dreg:$0x18] =	wrdreg s2  }
0x24: {  	s0 =	rddreg [dreg:$0x8];
	s1 =	simm.s32 $0x10000  }
0x25: {  	[tilespmem:s1], [sflag:$0x9] =	stream.strided.gather [hbm4b:s0+s3], $0x1000, s4, s3, $0x38;
	[tilespmem:$0x12000] =	vst v63  }
0x26: {  	s13 =	rddreg [dreg:$0x9];
	s14 =	simm.s32 $0x11000  }
0x27: {  	[tilespmem:s14], [sflag:$0xA] =	stream.strided.gather [hbm4b:s13+s3], $0x1000, s4, s3, $0x38;
	[tilespmem:$0x12000] =	vst v63  }
0x28: {  	s15 =	simm.s32 $0x0;
	s16 =	rddreg [dreg:$0xa]  }
0x29: {  	[tilespmem:s15], [sflag:$0x1] =	stream.strided.gather [hbm4b:s16+s3], $0x1000, s4, s3, $0x38;
	[tilespmem:$0x12000] =	vst v63  }
0x2a: {  	s17 =	rddreg [dreg:$0x12];
	s18 =	simm.s32 $0x1000  }
0x2b: {  	[tilespmem:s18], [sflag:$0x1] =	stream.strided.gather [hbm4b:s17+s3], $0x1000, s4, s3, $0x38;
	[tilespmem:$0x12000] =	vst v63  }
0x2c: {  	s19 =	rddreg [dreg:$0x13];
	s20 =	simm.s32 $0x2000  }
0x2d: {  	[tilespmem:s20], [sflag:$0x1] =	stream.strided.gather [hbm4b:s19+s3], $0x1000, s4, s3, $0x38;
	[tilespmem:$0x12000] =	vst v63  }
0x2e: {  	s21 =	rddreg [dreg:$0x14];
	s22 =	simm.s32 $0x3000  }
0x2f: {  	[tilespmem:s22], [sflag:$0x1] =	stream.strided.gather [hbm4b:s21+s3], $0x1000, s4, s3, $0x38;
	[tilespmem:$0x12000] =	vst v63  }
0x30: {  	s23 =	rddreg [dreg:$0xb];
	s24 =	simm.s32 $0x4000  }
0x31: {  	[tilespmem:s24], [sflag:$0x2] =	stream.strided.gather [hbm4b:s23+s3], $0x1000, s4, s3, $0x38;
	[tilespmem:$0x12000] =	vst v63  }
0x32: {  	s25 =	rddreg [dreg:$0x15];
	s26 =	simm.s32 $0x5000  }
0x33: {  	[tilespmem:s26], [sflag:$0x2] =	stream.strided.gather [hbm4b:s25+s3], $0x1000, s4, s3, $0x38;
	[tilespmem:$0x12000] =	vst v63  }
0x34: {  	s28 =	rddreg [dreg:$0x16];
	s29 =	simm.s32 $0x6000  }
0x35: {  	[tilespmem:s29], [sflag:$0x2] =	stream.strided.gather [hbm4b:s28+s3], $0x1000, s4, s3, $0x38;
	[tilespmem:$0x12000] =	vst v63  }
0x36: {  	s30 =	rddreg [dreg:$0x17];
	s31 =	simm.s32 $0x7000;
	s1 =	simm.s32 $0x0  }
0x37: {  	[tilespmem:s31], [sflag:$0x2] =	stream.strided.gather [hbm4b:s30+s3], $0x1000, s4, s3, $0x38;
	[tilespmem:$0x12000] =	vst v63  }
.LBB2_2:
0x38: {  	p0 =	seq.s32 s1, $0x0  }
0x39: {  	s2 =	simm.s32 @!p0 $0x7  }
0x3a: {  	s5 =	sshll.u32 s1, $0xB;
	_ =	swait.ge @!p0 [sflag:s2], $0x4000  }
0x3b: {  	[dreg:$0x1e] =	wrdreg s5;
	[sflag:s2] =	ssyncset.done @!p0 $0x0  }
0x3c: {  	s0 =	rddreg [dreg:$0xc];
	[sflag:s2] =	ssyncadd.s32 @!p0 $0xFFFFC000  }
0x3d: {  	s5 =	sadd.s32 s0, s5;
	s25 =	rddreg [dreg:$0x0]  }
0x3e: {  	s28 =	simm.s32 $0x8000;
	s26 =	sadd.s32 s25, s5  }
0x3f: {  	[tilespmem:s28], [sflag:$0x3] =	stream.strided.gather [hbm4b:s26+s3], $0x1000, s4, s3, $0x38;
	[tilespmem:$0x12000] =	vst v63  }
0x40: {  	s29 =	simm.s32 $0x9000;
	s7 =	sadd.s32 $0x100000, s26  }
0x41: {  	[tilespmem:s29], [sflag:$0x3] =	stream.strided.gather [hbm4b:s7+s3], $0x1000, s4, s3, $0x38;
	[tilespmem:$0x12000] =	vst v63  }
0x42: {  	s31 =	simm.s32 $0xA000;
	s6 =	simm.s32 $0x9;
	s30 =	sadd.s32 $0x200000, s26  }
0x43: {  	[tilespmem:s31], [sflag:$0x3] =	stream.strided.gather [hbm4b:s30+s3], $0x1000, s4, s3, $0x38;
	[tilespmem:$0x12000] =	vst v63  }
0x44: {  	[dreg:$0x1b] =	wrdreg s5;
	s5 =	simm.s32 $0xB000;
	s2 =	sadd.s32 $0x300000, s26  }
0x45: {  	[tilespmem:s5], [sflag:$0x3] =	stream.strided.gather [hbm4b:s2+s3], $0x1000, s4, s3, $0x38;
	[tilespmem:$0x12000] =	vst v63  }
0x46: {  	_ =	swait.ge [sflag:s6], $0x1000  }
0x47: {  	[sflag:s6] =	ssyncset.done $0x0  }
0x48: {  	s11 =	simm.s32 $0x0;
	s7 =	simm.s32 $0x1;
	[sflag:s6] =	ssyncadd.s32 $0xFFFFF000  }
0x49: {  	s8 =	sand.u32 $0xE00, s11;
	_ =	swait.ge [sflag:s7], $0x4000  }
0x4a: {  	s9 =	sor.u32 s8, s11;
	[sflag:s7] =	ssyncset.done $0x0  }
0x4b: {  	s12 =	sand.u32 $0x180, s11;
	[sflag:s7] =	ssyncadd.s32 $0xFFFFC000;
	s7 =	sor.u32 $0x70, s9  }
0x4c: {  	s13 =	sor.u32 s12, s8;
	v0 =	vld [tilespmem:s7+$0x10000]  }
0x4d: {  	v2 =	vld [tilespmem:s13+$0x10000]  }
0x4e: {  	v3 =	vld [tilespmem:s13+$0x10010]  }
0x4f: {  	v4 =	vld [tilespmem:s13+$0x10020]  }
0x50: {  	v5 =	vld [tilespmem:s13+$0x10030]  }
0x51: {  	v6 =	vld [tilespmem:s13+$0x10040]  }
0x52: {  	v1 =	vld [tilespmem:s13+$0x10050]  }
0x53: {  	[tilespmem:s7+$0x0] =	vst.add.f32.msk $0xffff, v0  }
0x54: {  	s17 =	sor.u32 $0x10, s13;
	[tilespmem:s13+$0x0] =	vst.add.f32.msk $0xffff, v2  }
0x55: {  	s21 =	sor.u32 $0x20, s13;
	[tilespmem:s17+$0x0] =	vst.add.f32.msk $0xffff, v3  }
0x56: {  	s25 =	sor.u32 $0x30, s13;
	[tilespmem:s21+$0x0] =	vst.add.f32.msk $0xffff, v4  }
0x57: {  	s2 =	sor.u32 $0x1070, s13;
	[tilespmem:s25+$0x0] =	vst.add.f32.msk $0xffff, v5  }
0x58: {  	s14 =	sor.u32 $0x1000, s13;
	[tilespmem:s2+$0x0] =	vst.add.f32.msk $0xffff, v0  }
0x59: {  	s18 =	sor.u32 $0x1010, s13;
	[tilespmem:s14+$0x0] =	vst.add.f32.msk $0xffff, v2  }
0x5a: {  	s22 =	sor.u32 $0x1020, s13;
	[tilespmem:s18+$0x0] =	vst.add.f32.msk $0xffff, v3  }
0x5b: {  	s26 =	sor.u32 $0x1030, s13;
	[tilespmem:s22+$0x0] =	vst.add.f32.msk $0xffff, v4  }
0x5c: {  	s10 =	sor.u32 $0x2070, s13;
	[tilespmem:s26+$0x0] =	vst.add.f32.msk $0xffff, v5  }
0x5d: {  	s15 =	sor.u32 $0x2000, s13;
	[tilespmem:s10+$0x0] =	vst.add.f32.msk $0xffff, v0  }
0x5e: {  	s19 =	sor.u32 $0x2010, s13;
	[tilespmem:s15+$0x0] =	vst.add.f32.msk $0xffff, v2  }
0x5f: {  	s23 =	sor.u32 $0x2020, s13;
	[tilespmem:s19+$0x0] =	vst.add.f32.msk $0xffff, v3  }
0x60: {  	s28 =	sor.u32 $0x2030, s13;
	[tilespmem:s23+$0x0] =	vst.add.f32.msk $0xffff, v4  }
0x61: {  	s12 =	sor.u32 $0x3070, s13;
	[tilespmem:s28+$0x0] =	vst.add.f32.msk $0xffff, v5  }
0x62: {  	s16 =	sor.u32 $0x3000, s13;
	[tilespmem:s12+$0x0] =	vst.add.f32.msk $0xffff, v0  }
0x63: {  	s20 =	sor.u32 $0x3010, s13;
	[tilespmem:s16+$0x0] =	vst.add.f32.msk $0xffff, v2  }
0x64: {  	s24 =	sor.u32 $0x3020, s13;
	[tilespmem:s20+$0x0] =	vst.add.f32.msk $0xffff, v3  }
0x65: {  	s29 =	sor.u32 $0x3030, s13;
	[tilespmem:s24+$0x0] =	vst.add.f32.msk $0xffff, v4  }
0x66: {  	[tilespmem:s29+$0x0] =	vst.add.f32.msk $0xffff, v5  }
0x67: {  	s31 =	sshll.u32 s1, $0x2;
	v0 =	vld [tilespmem:s13+$0x10060];
	[dreg:$0x19] =	wrdreg s1  }
0x68: {  	s30 =	sor.u32 $0x40, s13;
	[dreg:$0x1c] =	wrdreg s31  }
0x69: {  	s10 =	sor.u32 $0x50, s13;
	[tilespmem:s30+$0x0] =	vst.add.f32.msk $0xffff, v6  }
0x6a: {  	s7 =	sor.u32 $0x1050, s13;
	s17 =	sor.u32 $0x1060, s13;
	s14 =	sor.u32 $0x1040, s13;
	[tilespmem:s10+$0x0] =	vst.add.f32.msk $0xffff, v1  }
0x6b: {  	s22 =	sor.u32 $0x3040, s13;
	s18 =	sor.u32 $0x3050, s13;
	s16 =	sor.u32 $0x2040, s13;
	[tilespmem:s14+$0x0] =	vst.add.f32.msk $0xffff, v6  }
0x6c: {  	s26 =	sor.u32 $0x60, s13;
	s19 =	sor.u32 $0x2050, s13;
	s12 =	simm.s32 $0x0;
	[tilespmem:s16+$0x0] =	vst.add.f32.msk $0xffff, v6  }
0x6d: {  	s14 =	sor.u32 $0x3060, s13;
	s16 =	sor.u32 $0x2060, s13;
	s13 =	simm.s32 $0x200;
	[tilespmem:s22+$0x0] =	vst.add.f32.msk $0xffff, v6  }
.LBB2_3:
0x6e: {  	s10 =	sand.u32 $0xE00, s13;
	[tilespmem:s7+$0x0] =	vst.add.f32.msk $0xffff, v1;
	s11 =	sadd.s32 $0x10, s11  }
0x6f: {  	s7 =	sor.u32 s10, s11;
	[tilespmem:s19+$0x0] =	vst.add.f32.msk $0xffff, v1  }
0x70: {  	s7 =	sor.u32 $0x70, s7;
	[tilespmem:s18+$0x0] =	vst.add.f32.msk $0xffff, v1  }
0x71: {  	s12 =	sadd.s32 $0x8, s12;
	v1 =	vld [tilespmem:s7+$0x10000]  }
0x72: {  	p1 =	slt.u32 s12, $0xF8;
	[tilespmem:s26+$0x0] =	vst.add.f32.msk $0xffff, v0  }
0x73: {  	[tilespmem:s17+$0x0] =	vst.add.f32.msk $0xffff, v0  }
0x74: {  	s17 =	sand.u32 $0x180, s11;
	[tilespmem:s16+$0x0] =	vst.add.f32.msk $0xffff, v0  }
0x75: {  	s10 =	sor.u32 s17, s10;
	[tilespmem:s14+$0x0] =	vst.add.f32.msk $0xffff, v0  }
0x76: {  	s22 =	sor.u32 $0x1000, s10;
	s5 =	sor.u32 $0x2000, s10;
	[tilespmem:s7+$0x0] =	vst.add.f32.msk $0xffff, v1;
	s7 =	sor.u32 $0x1070, s10  }
0x77: {  	s25 =	sor.u32 $0x3000, s10;
	s9 =	sor.u32 $0x10, s10;
	[tilespmem:s7+$0x0] =	vst.add.f32.msk $0xffff, v1;
	s7 =	sor.u32 $0x2070, s10  }
0x78: {  	s3 =	sor.u32 $0x1010, s10;
	s21 =	sor.u32 $0x2010, s10;
	[tilespmem:s7+$0x0] =	vst.add.f32.msk $0xffff, v1;
	s7 =	sor.u32 $0x3070, s10  }
0x79: {  	s29 =	sor.u32 $0x3010, s10;
	s30 =	sor.u32 $0x20, s10;
	s31 =	sor.u32 $0x1020, s10;
	[tilespmem:s7+$0x0] =	vst.add.f32.msk $0xffff, v1  }
0x7a: {  	s0 =	sor.u32 $0x2020, s10;
	s4 =	sor.u32 $0x3020, s10;
	s6 =	sor.u32 $0x30, s10;
	v2 =	vld [tilespmem:s10+$0x10000]  }
0x7b: {  	s20 =	sor.u32 $0x1030, s10;
	s28 =	sor.u32 $0x2030, s10;
	s2 =	sor.u32 $0x3030, s10;
	v3 =	vld [tilespmem:s10+$0x10010]  }
0x7c: {  	s1 =	sor.u32 $0x40, s10;
	s8 =	sor.u32 $0x1040, s10;
	s23 =	sor.u32 $0x2040, s10;
	v4 =	vld [tilespmem:s10+$0x10020]  }
0x7d: {  	s24 =	sor.u32 $0x3040, s10;
	s15 =	sor.u32 $0x50, s10;
	s7 =	sor.u32 $0x1050, s10;
	v5 =	vld [tilespmem:s10+$0x10030]  }
0x7e: {  	s19 =	sor.u32 $0x2050, s10;
	s18 =	sor.u32 $0x3050, s10;
	s26 =	sor.u32 $0x60, s10;
	v6 =	vld [tilespmem:s10+$0x10040]  }
0x7f: {  	s17 =	sor.u32 $0x1060, s10;
	s16 =	sor.u32 $0x2060, s10;
	s14 =	sor.u32 $0x3060, s10;
	v1 =	vld [tilespmem:s10+$0x10050]  }
0x80: {  	v0 =	vld [tilespmem:s10+$0x10060]  }
0x81: {  	[tilespmem:s10+$0x0] =	vst.add.f32.msk $0xffff, v2  }
0x82: {  	[tilespmem:s22+$0x0] =	vst.add.f32.msk $0xffff, v2  }
0x83: {  	[tilespmem:s5+$0x0] =	vst.add.f32.msk $0xffff, v2  }
0x84: {  	[tilespmem:s25+$0x0] =	vst.add.f32.msk $0xffff, v2  }
0x85: {  	[tilespmem:s9+$0x0] =	vst.add.f32.msk $0xffff, v3  }
0x86: {  	[tilespmem:s3+$0x0] =	vst.add.f32.msk $0xffff, v3  }
0x87: {  	[tilespmem:s21+$0x0] =	vst.add.f32.msk $0xffff, v3  }
0x88: {  	[tilespmem:s29+$0x0] =	vst.add.f32.msk $0xffff, v3  }
0x89: {  	[tilespmem:s30+$0x0] =	vst.add.f32.msk $0xffff, v4  }
0x8a: {  	[tilespmem:s31+$0x0] =	vst.add.f32.msk $0xffff, v4  }
0x8b: {  	[tilespmem:s0+$0x0] =	vst.add.f32.msk $0xffff, v4  }
0x8c: {  	[tilespmem:s4+$0x0] =	vst.add.f32.msk $0xffff, v4  }
0x8d: {  	[tilespmem:s6+$0x0] =	vst.add.f32.msk $0xffff, v5  }
0x8e: {  	[tilespmem:s20+$0x0] =	vst.add.f32.msk $0xffff, v5  }
0x8f: {  	[tilespmem:s28+$0x0] =	vst.add.f32.msk $0xffff, v5  }
0x90: {  	[tilespmem:s2+$0x0] =	vst.add.f32.msk $0xffff, v5  }
.Ltmp2:
0x91: {  	[tilespmem:s1+$0x0] =	vst.add.f32.msk $0xffff, v6;
	(pc) =	sbr.rel @p1 .LBB2_3-.Ltmp2, $4  }
0x92: {  	[tilespmem:s8+$0x0] =	vst.add.f32.msk $0xffff, v6  }
0x93: {  	[tilespmem:s23+$0x0] =	vst.add.f32.msk $0xffff, v6  }
0x94: {  	[tilespmem:s24+$0x0] =	vst.add.f32.msk $0xffff, v6  }
0x95: {  	s13 =	sadd.s32 $0x200, s13;
	[tilespmem:s15+$0x0] =	vst.add.f32.msk $0xffff, v1  }
0x96: {  	[tilespmem:s7+$0x0] =	vst.add.f32.msk $0xffff, v1  }
0x97: {  	[tilespmem:s26+$0x0] =	vst.add.f32.msk $0xffff, v0  }
0x98: {  	[tilespmem:s19+$0x0] =	vst.add.f32.msk $0xffff, v1  }
0x99: {  	[tilespmem:s17+$0x0] =	vst.add.f32.msk $0xffff, v0  }
0x9a: {  	[tilespmem:s18+$0x0] =	vst.add.f32.msk $0xffff, v1  }
0x9b: {  	[tilespmem:s16+$0x0] =	vst.add.f32.msk $0xffff, v0  }
0x9c: {  	s0 =	rddreg [dreg:$0x7]  }
0x9d: {  	s5 =	rddreg [dreg:$0x1e]  }
0x9e: {  	s15 =	simm.s32 $0x0;
	[tilespmem:s14+$0x0] =	vst.add.f32.msk $0xffff, v0;
	s14 =	rddreg [dreg:$0x2];
	s1 =	sadd.s32 s0, s5  }
0x9f: {  	s2 =	simm.s32 $0x200;
	s3 =	simm.s32 $0x400;
	s0 =	sadd.s32 s14, s1  }
0xa0: {  	[hbm4b:s0+s2] =	stream.strided.scatter [tilespmem:s15], [sflag:$0x5], $0x1000, s3, s2, $0x38;
	[tilespmem:$0x12000] =	vst v63  }
0xa1: {  	s4 =	simm.s32 $0x1000;
	s16 =	sadd.s32 $0x100000, s0  }
0xa2: {  	[hbm4b:s16+s2] =	stream.strided.scatter [tilespmem:s4], [sflag:$0x5], $0x1000, s3, s2, $0x38;
	[tilespmem:$0x12000] =	vst v63  }
0xa3: {  	s20 =	rddreg [dreg:$0x1];
	s18 =	simm.s32 $0x2000;
	s17 =	sadd.s32 $0x200000, s0  }
0xa4: {  	[hbm4b:s17+s2] =	stream.strided.scatter [tilespmem:s18], [sflag:$0x5], $0x1000, s3, s2, $0x38;
	[tilespmem:$0x12000] =	vst v63  }
0xa5: {  	s19 =	simm.s32 $0x3000;
	s21 =	rddreg [dreg:$0x1b];
	s0 =	sadd.s32 $0x300000, s0  }
0xa6: {  	[hbm4b:s0+s2] =	stream.strided.scatter [tilespmem:s19], [sflag:$0x5], $0x1000, s3, s2, $0x38;
	[tilespmem:$0x12000] =	vst v63  }
0xa7: {  	s22 =	simm.s32 $0x10000;
	s0 =	sadd.s32 s20, s21  }
0xa8: {  	[tilespmem:s22], [sflag:$0x9] =	stream.strided.gather [hbm4b:s0+s2], $0x1000, s3, s2, $0x38;
	[tilespmem:$0x12000] =	vst v63  }
0xa9: {  	[dreg:$0x1f] =	wrdreg s1;
	s0 =	simm.s32 @!p0 $0x8  }
0xaa: {  	_ =	swait.ge @!p0 [sflag:s0], $0x4000  }
0xab: {  	[sflag:s0] =	ssyncset.done @!p0 $0x0  }
0xac: {  	s23 =	rddreg [dreg:$0xd];
	[sflag:s0] =	ssyncadd.s32 @!p0 $0xFFFFC000  }
0xad: {  	s1 =	sadd.s32 s23, s5;
	s0 =	rddreg [dreg:$0x0]  }
0xae: {  	s24 =	simm.s32 $0xC000;
	s0 =	sadd.s32 s0, s1  }
0xaf: {  	[tilespmem:s24], [sflag:$0x4] =	stream.strided.gather [hbm4b:s0+s2], $0x1000, s3, s2, $0x38;
	[tilespmem:$0x12000] =	vst v63  }
0xb0: {  	s26 =	simm.s32 $0xD000;
	s25 =	sadd.s32 $0x100000, s0  }
0xb1: {  	[tilespmem:s26], [sflag:$0x4] =	stream.strided.gather [hbm4b:s25+s2], $0x1000, s3, s2, $0x38;
	[tilespmem:$0x12000] =	vst v63  }
0xb2: {  	s29 =	simm.s32 $0xE000;
	s30 =	simm.s32 $0xF000;
	s28 =	sadd.s32 $0x200000, s0  }
0xb3: {  	[tilespmem:s29], [sflag:$0x4] =	stream.strided.gather [hbm4b:s28+s2], $0x1000, s3, s2, $0x38;
	[tilespmem:$0x12000] =	vst v63  }
0xb4: {  	s31 =	simm.s32 $0xA;
	[dreg:$0x1a] =	wrdreg s1;
	s0 =	sadd.s32 $0x300000, s0  }
0xb5: {  	[tilespmem:s30], [sflag:$0x4] =	stream.strided.gather [hbm4b:s0+s2], $0x1000, s3, s2, $0x38;
	[tilespmem:$0x12000] =	vst v63  }
0xb6: {  	_ =	swait.ge [sflag:s31], $0x1000  }
0xb7: {  	[sflag:s31] =	ssyncset.done $0x0  }
0xb8: {  	s12 =	simm.s32 $0x0;
	s1 =	simm.s32 $0x2;
	[sflag:s31] =	ssyncadd.s32 $0xFFFFF000  }
0xb9: {  	s3 =	sand.u32 $0xE00, s12;
	_ =	swait.ge [sflag:s1], $0x4000  }
0xba: {  	s4 =	sor.u32 s3, s12;
	[sflag:s1] =	ssyncset.done $0x0  }
0xbb: {  	s5 =	sand.u32 $0x180, s12;
	[sflag:s1] =	ssyncadd.s32 $0xFFFFC000;
	s1 =	sor.u32 $0x70, s4  }
0xbc: {  	s6 =	sor.u32 s5, s3;
	v0 =	vld [tilespmem:s1+$0x11000]  }
0xbd: {  	v2 =	vld [tilespmem:s6+$0x11000]  }
0xbe: {  	v3 =	vld [tilespmem:s6+$0x11010]  }
0xbf: {  	v4 =	vld [tilespmem:s6+$0x11020]  }
0xc0: {  	v5 =	vld [tilespmem:s6+$0x11030]  }
0xc1: {  	v6 =	vld [tilespmem:s6+$0x11040]  }
0xc2: {  	v1 =	vld [tilespmem:s6+$0x11050]  }
0xc3: {  	s9 =	sor.u32 $0x4000, s6;
	[tilespmem:s1+$0x4000] =	vst.add.f32.msk $0xffff, v0  }
0xc4: {  	s15 =	sor.u32 $0x4010, s6;
	[tilespmem:s9+$0x0] =	vst.add.f32.msk $0xffff, v2  }
0xc5: {  	s19 =	sor.u32 $0x4020, s6;
	[tilespmem:s15+$0x0] =	vst.add.f32.msk $0xffff, v3  }
0xc6: {  	s23 =	sor.u32 $0x4030, s6;
	[tilespmem:s19+$0x0] =	vst.add.f32.msk $0xffff, v4  }
0xc7: {  	s28 =	sor.u32 $0x4040, s6;
	[tilespmem:s23+$0x0] =	vst.add.f32.msk $0xffff, v5  }
0xc8: {  	s31 =	sor.u32 $0x4050, s6;
	[tilespmem:s28+$0x0] =	vst.add.f32.msk $0xffff, v6  }
0xc9: {  	s0 =	sor.u32 $0x5070, s6;
	[tilespmem:s31+$0x0] =	vst.add.f32.msk $0xffff, v1  }
0xca: {  	s10 =	sor.u32 $0x5000, s6;
	[tilespmem:s0+$0x0] =	vst.add.f32.msk $0xffff, v0  }
0xcb: {  	s16 =	sor.u32 $0x5010, s6;
	[tilespmem:s10+$0x0] =	vst.add.f32.msk $0xffff, v2  }
0xcc: {  	s20 =	sor.u32 $0x5020, s6;
	[tilespmem:s16+$0x0] =	vst.add.f32.msk $0xffff, v3  }
0xcd: {  	s24 =	sor.u32 $0x5030, s6;
	[tilespmem:s20+$0x0] =	vst.add.f32.msk $0xffff, v4  }
0xce: {  	s29 =	sor.u32 $0x5040, s6;
	[tilespmem:s24+$0x0] =	vst.add.f32.msk $0xffff, v5  }
0xcf: {  	s7 =	sor.u32 $0x6070, s6;
	[tilespmem:s29+$0x0] =	vst.add.f32.msk $0xffff, v6  }
0xd0: {  	s11 =	sor.u32 $0x6000, s6;
	[tilespmem:s7+$0x0] =	vst.add.f32.msk $0xffff, v0  }
0xd1: {  	s17 =	sor.u32 $0x6010, s6;
	[tilespmem:s11+$0x0] =	vst.add.f32.msk $0xffff, v2  }
0xd2: {  	s21 =	sor.u32 $0x6020, s6;
	[tilespmem:s17+$0x0] =	vst.add.f32.msk $0xffff, v3  }
0xd3: {  	s25 =	sor.u32 $0x6030, s6;
	[tilespmem:s21+$0x0] =	vst.add.f32.msk $0xffff, v4  }
0xd4: {  	s30 =	sor.u32 $0x6040, s6;
	[tilespmem:s25+$0x0] =	vst.add.f32.msk $0xffff, v5  }
0xd5: {  	s8 =	sor.u32 $0x7070, s6;
	[tilespmem:s30+$0x0] =	vst.add.f32.msk $0xffff, v6  }
0xd6: {  	[tilespmem:s8+$0x0] =	vst.add.f32.msk $0xffff, v0  }
0xd7: {  	s13 =	sor.u32 $0x7000, s6;
	v0 =	vld [tilespmem:s6+$0x11060]  }
0xd8: {  	s18 =	sor.u32 $0x7010, s6;
	[tilespmem:s13+$0x0] =	vst.add.f32.msk $0xffff, v2  }
0xd9: {  	s14 =	simm.s32 $0x200;
	s22 =	sor.u32 $0x7020, s6;
	s26 =	sor.u32 $0x7030, s6;
	[tilespmem:s18+$0x0] =	vst.add.f32.msk $0xffff, v3  }
0xda: {  	s2 =	sor.u32 $0x7040, s6;
	s19 =	sor.u32 $0x7050, s6;
	s16 =	sor.u32 $0x6060, s6;
	[tilespmem:s22+$0x0] =	vst.add.f32.msk $0xffff, v4  }
0xdb: {  	s7 =	sor.u32 $0x6050, s6;
	s17 =	sor.u32 $0x5060, s6;
	[tilespmem:s26+$0x0] =	vst.add.f32.msk $0xffff, v5;
	s13 =	simm.s32 $0x0  }
0xdc: {  	s22 =	sor.u32 $0x5050, s6;
	s18 =	sor.u32 $0x4060, s6;
	[tilespmem:s2+$0x0] =	vst.add.f32.msk $0xffff, v6;
	s26 =	sor.u32 $0x7060, s6  }
.LBB2_5:
0xdd: {  	s0 =	sand.u32 $0xE00, s14;
	[tilespmem:s22+$0x0] =	vst.add.f32.msk $0xffff, v1;
	s12 =	sadd.s32 $0x10, s12  }
0xde: {  	s1 =	sor.u32 s0, s12;
	[tilespmem:s7+$0x0] =	vst.add.f32.msk $0xffff, v1  }
0xdf: {  	s2 =	sand.u32 $0x180, s12;
	s1 =	sor.u32 $0x70, s1;
	[tilespmem:s19+$0x0] =	vst.add.f32.msk $0xffff, v1  }
0xe0: {  	s0 =	sor.u32 s2, s0;
	v1 =	vld [tilespmem:s1+$0x11000]  }
0xe1: {  	v2 =	vld [tilespmem:s0+$0x11000]  }
0xe2: {  	v3 =	vld [tilespmem:s0+$0x11010]  }
0xe3: {  	v4 =	vld [tilespmem:s0+$0x11020]  }
0xe4: {  	v5 =	vld [tilespmem:s0+$0x11030]  }
0xe5: {  	v6 =	vld [tilespmem:s0+$0x11040]  }
0xe6: {  	[tilespmem:s18+$0x0] =	vst.add.f32.msk $0xffff, v0  }
0xe7: {  	[tilespmem:s17+$0x0] =	vst.add.f32.msk $0xffff, v0  }
0xe8: {  	[tilespmem:s16+$0x0] =	vst.add.f32.msk $0xffff, v0  }
0xe9: {  	[tilespmem:s26+$0x0] =	vst.add.f32.msk $0xffff, v0  }
0xea: {  	[tilespmem:s1+$0x4000] =	vst.add.f32.msk $0xffff, v1  }
0xeb: {  	s2 =	sor.u32 $0x4000, s0;
	v0 =	vld [tilespmem:s0+$0x11060]  }
0xec: {  	s6 =	sor.u32 $0x4010, s0;
	[tilespmem:s2+$0x0] =	vst.add.f32.msk $0xffff, v2  }
0xed: {  	s20 =	sor.u32 $0x4020, s0;
	[tilespmem:s6+$0x0] =	vst.add.f32.msk $0xffff, v3  }
0xee: {  	s30 =	sor.u32 $0x4040, s0;
	[tilespmem:s20+$0x0] =	vst.add.f32.msk $0xffff, v4  }
0xef: {  	s23 =	sor.u32 $0x5070, s0;
	[tilespmem:s30+$0x0] =	vst.add.f32.msk $0xffff, v6  }
0xf0: {  	s3 =	sor.u32 $0x5000, s0;
	[tilespmem:s23+$0x0] =	vst.add.f32.msk $0xffff, v1  }
0xf1: {  	s8 =	sor.u32 $0x5010, s0;
	[tilespmem:s3+$0x0] =	vst.add.f32.msk $0xffff, v2  }
0xf2: {  	s1 =	sor.u32 $0x5020, s0;
	[tilespmem:s8+$0x0] =	vst.add.f32.msk $0xffff, v3  }
0xf3: {  	s31 =	sor.u32 $0x5040, s0;
	[tilespmem:s1+$0x0] =	vst.add.f32.msk $0xffff, v4  }
0xf4: {  	s24 =	sor.u32 $0x6070, s0;
	[tilespmem:s31+$0x0] =	vst.add.f32.msk $0xffff, v6  }
0xf5: {  	s4 =	sor.u32 $0x6000, s0;
	[tilespmem:s24+$0x0] =	vst.add.f32.msk $0xffff, v1  }
0xf6: {  	s9 =	sor.u32 $0x6010, s0;
	[tilespmem:s4+$0x0] =	vst.add.f32.msk $0xffff, v2  }
0xf7: {  	s21 =	sor.u32 $0x6020, s0;
	[tilespmem:s9+$0x0] =	vst.add.f32.msk $0xffff, v3  }
0xf8: {  	s15 =	sor.u32 $0x6040, s0;
	[tilespmem:s21+$0x0] =	vst.add.f32.msk $0xffff, v4  }
0xf9: {  	s25 =	sor.u32 $0x7070, s0;
	[tilespmem:s15+$0x0] =	vst.add.f32.msk $0xffff, v6  }
0xfa: {  	[tilespmem:s25+$0x0] =	vst.add.f32.msk $0xffff, v1  }
0xfb: {  	s5 =	sor.u32 $0x7000, s0;
	v1 =	vld [tilespmem:s0+$0x11050]  }
0xfc: {  	s10 =	sor.u32 $0x7010, s0;
	[tilespmem:s5+$0x0] =	vst.add.f32.msk $0xffff, v2  }
0xfd: {  	s23 =	sor.u32 $0x7020, s0;
	[tilespmem:s10+$0x0] =	vst.add.f32.msk $0xffff, v3  }
0xfe: {  	s13 =	sadd.s32 $0x8, s13;
	s24 =	sor.u32 $0x4030, s0;
	[tilespmem:s23+$0x0] =	vst.add.f32.msk $0xffff, v4  }
0xff: {  	p0 =	slt.u32 s13, $0xF8;
	s11 =	sor.u32 $0x7040, s0;
	[tilespmem:s24+$0x0] =	vst.add.f32.msk $0xffff, v5  }
.Ltmp3:
0x100: {  	s14 =	sadd.s32 $0x200, s14;
	s25 =	sor.u32 $0x5030, s0;
	[tilespmem:s11+$0x0] =	vst.add.f32.msk $0xffff, v6;
	(pc) =	sbr.rel @p0 .LBB2_5-.Ltmp3, $4  }
0x101: {  	s28 =	sor.u32 $0x6030, s0;
	s29 =	sor.u32 $0x7030, s0;
	s26 =	sor.u32 $0x4050, s0;
	[tilespmem:s25+$0x0] =	vst.add.f32.msk $0xffff, v5  }
0x102: {  	s22 =	sor.u32 $0x5050, s0;
	s7 =	sor.u32 $0x6050, s0;
	[dreg:$0x4] =	wrdreg s26;
	[tilespmem:s28+$0x0] =	vst.add.f32.msk $0xffff, v5  }
0x103: {  	s19 =	sor.u32 $0x7050, s0;
	s18 =	sor.u32 $0x4060, s0;
	s31 =	rddreg [dreg:$0x4];
	[tilespmem:s29+$0x0] =	vst.add.f32.msk $0xffff, v5  }
0x104: {  	s17 =	sor.u32 $0x5060, s0;
	s16 =	sor.u32 $0x6060, s0;
	s26 =	sor.u32 $0x7060, s0;
	[tilespmem:s31+$0x0] =	vst.add.f32.msk $0xffff, v1  }
0x105: {  	[tilespmem:s22+$0x0] =	vst.add.f32.msk $0xffff, v1  }
0x106: {  	[tilespmem:s18+$0x0] =	vst.add.f32.msk $0xffff, v0  }
0x107: {  	[tilespmem:s7+$0x0] =	vst.add.f32.msk $0xffff, v1  }
0x108: {  	[tilespmem:s17+$0x0] =	vst.add.f32.msk $0xffff, v0  }
0x109: {  	[tilespmem:s19+$0x0] =	vst.add.f32.msk $0xffff, v1  }
0x10a: {  	[tilespmem:s16+$0x0] =	vst.add.f32.msk $0xffff, v0  }
0x10b: {  	[tilespmem:s26+$0x0] =	vst.add.f32.msk $0xffff, v0  }
0x10c: {  	s0 =	rddreg [dreg:$0xe]  }
0x10d: {  	s2 =	simm.s32 $0x200;
	s1 =	rddreg [dreg:$0x1f]  }
0x10e: {  	s3 =	simm.s32 $0x400;
	s20 =	simm.s32 $0x4000;
	s0 =	sadd.s32 s1, s0  }
0x10f: {  	[hbm4b:s0+s2] =	stream.strided.scatter [tilespmem:s20], [sflag:$0x6], $0x1000, s3, s2, $0x38;
	[tilespmem:$0x12000] =	vst v63  }
0x110: {  	s4 =	simm.s32 $0x5000;
	s21 =	sadd.s32 $0x100000, s0  }
0x111: {  	[hbm4b:s21+s2] =	stream.strided.scatter [tilespmem:s4], [sflag:$0x6], $0x1000, s3, s2, $0x38;
	[tilespmem:$0x12000] =	vst v63  }
0x112: {  	s23 =	simm.s32 $0x6000;
	s25 =	rddreg [dreg:$0x1];
	s22 =	sadd.s32 $0x200000, s0  }
0x113: {  	[hbm4b:s22+s2] =	stream.strided.scatter [tilespmem:s23], [sflag:$0x6], $0x1000, s3, s2, $0x38;
	[tilespmem:$0x12000] =	vst v63  }
0x114: {  	s24 =	simm.s32 $0x7000;
	s26 =	rddreg [dreg:$0x1a];
	s0 =	sadd.s32 $0x300000, s0  }
0x115: {  	[hbm4b:s0+s2] =	stream.strided.scatter [tilespmem:s24], [sflag:$0x6], $0x1000, s3, s2, $0x38;
	[tilespmem:$0x12000] =	vst v63  }
0x116: {  	s28 =	simm.s32 $0x11000;
	s29 =	simm.s32 $0x5;
	s0 =	sadd.s32 s25, s26  }
0x117: {  	[tilespmem:s28], [sflag:$0xA] =	stream.strided.gather [hbm4b:s0+s2], $0x1000, s3, s2, $0x38;
	[tilespmem:$0x12000] =	vst v63  }
0x118: {  	_ =	swait.ge [sflag:s29], $0x4000  }
0x119: {  	s30 =	rddreg [dreg:$0x1c]  }
0x11a: {  	s31 =	rddreg [dreg:$0x19]  }
0x11b: {  	[sflag:s29] =	ssyncset.done $0x0;
	s0 =	sadd.s32 $0x4, s30;
	p0 =	seq.s32 s31, $0xF  }
0x11c: {  	[sflag:s29] =	ssyncadd.s32 $0xFFFFC000;
	s2 =	sshll.u32 @!p0 s0, $0x9  }
0x11d: {  	s0 =	rddreg [dreg:$0xa];
	s1 =	simm.s32 @!p0 $0x200;
	s3 =	simm.s32 @!p0 $0x0  }
0x11e: {  	[smem:$0x7FD] =	sst s2;
	s0 =	sadd.s32 @!p0 s2, s0;
	s2 =	simm.s32 @!p0 $0x400  }
0x11f: {  	[tilespmem:s3], [sflag:$0x1] =	stream.strided.gather @!p0 [hbm4b:s0+s1], $0x1000, s2, s1, $0x38;
	[tilespmem:$0x12000] =	vst v63  }
0x120: {  	s4 =	simm.s32 @!p0 $0x1000;
	s3 =	sadd.s32 @!p0 $0x100000, s0  }
0x121: {  	[tilespmem:s4], [sflag:$0x1] =	stream.strided.gather @!p0 [hbm4b:s3+s1], $0x1000, s2, s1, $0x38;
	[tilespmem:$0x12000] =	vst v63  }
0x122: {  	s3 =	sadd.s32 @!p0 $0x200000, s0;
	s4 =	simm.s32 @!p0 $0x2000  }
0x123: {  	[tilespmem:s4], [sflag:$0x1] =	stream.strided.gather @!p0 [hbm4b:s3+s1], $0x1000, s2, s1, $0x38;
	[tilespmem:$0x12000] =	vst v63  }
0x124: {  	s0 =	sadd.s32 @!p0 $0x300000, s0;
	s3 =	simm.s32 @!p0 $0x3000  }
0x125: {  	[tilespmem:s3], [sflag:$0x1] =	stream.strided.gather @!p0 [hbm4b:s0+s1], $0x1000, s2, s1, $0x38;
	[tilespmem:$0x12000] =	vst v63  }
0x126: {  	s2 =	simm.s32 $0x9  }
0x127: {  	_ =	swait.ge [sflag:s2], $0x1000  }
0x128: {  	[sflag:s2] =	ssyncset.done $0x0  }
0x129: {  	s12 =	simm.s32 $0x0;
	s3 =	simm.s32 $0x3;
	[sflag:s2] =	ssyncadd.s32 $0xFFFFF000  }
0x12a: {  	s4 =	sand.u32 $0xE00, s12;
	_ =	swait.ge [sflag:s3], $0x4000  }
0x12b: {  	s5 =	sor.u32 s4, s12;
	[sflag:s3] =	ssyncset.done $0x0  }
0x12c: {  	s6 =	sand.u32 $0x180, s12;
	s1 =	sor.u32 $0x70, s5;
	[sflag:s3] =	ssyncadd.s32 $0xFFFFC000  }
0x12d: {  	s14 =	sor.u32 s6, s4;
	v0 =	vld [tilespmem:s1+$0x10000]  }
0x12e: {  	v2 =	vld [tilespmem:s14+$0x10000]  }
0x12f: {  	v3 =	vld [tilespmem:s14+$0x10010]  }
0x130: {  	v4 =	vld [tilespmem:s14+$0x10020]  }
0x131: {  	v5 =	vld [tilespmem:s14+$0x10030]  }
0x132: {  	v6 =	vld [tilespmem:s14+$0x10040]  }
0x133: {  	v1 =	vld [tilespmem:s14+$0x10050]  }
0x134: {  	s9 =	sor.u32 $0x8000, s14;
	[tilespmem:s1+$0x8000] =	vst.add.f32.msk $0xffff, v0  }
0x135: {  	s15 =	sor.u32 $0x8010, s14;
	[tilespmem:s9+$0x0] =	vst.add.f32.msk $0xffff, v2  }
0x136: {  	s19 =	sor.u32 $0x8020, s14;
	[tilespmem:s15+$0x0] =	vst.add.f32.msk $0xffff, v3  }
0x137: {  	s23 =	sor.u32 $0x8030, s14;
	[tilespmem:s19+$0x0] =	vst.add.f32.msk $0xffff, v4  }
0x138: {  	s28 =	sor.u32 $0x8040, s14;
	[tilespmem:s23+$0x0] =	vst.add.f32.msk $0xffff, v5  }
0x139: {  	s31 =	sor.u32 $0x8050, s14;
	[tilespmem:s28+$0x0] =	vst.add.f32.msk $0xffff, v6  }
0x13a: {  	s0 =	sor.u32 $0x9070, s14;
	[tilespmem:s31+$0x0] =	vst.add.f32.msk $0xffff, v1  }
0x13b: {  	s10 =	sor.u32 $0x9000, s14;
	[tilespmem:s0+$0x0] =	vst.add.f32.msk $0xffff, v0  }
0x13c: {  	s16 =	sor.u32 $0x9010, s14;
	[tilespmem:s10+$0x0] =	vst.add.f32.msk $0xffff, v2  }
0x13d: {  	s20 =	sor.u32 $0x9020, s14;
	[tilespmem:s16+$0x0] =	vst.add.f32.msk $0xffff, v3  }
0x13e: {  	s24 =	sor.u32 $0x9030, s14;
	[tilespmem:s20+$0x0] =	vst.add.f32.msk $0xffff, v4  }
0x13f: {  	s29 =	sor.u32 $0x9040, s14;
	[tilespmem:s24+$0x0] =	vst.add.f32.msk $0xffff, v5  }
0x140: {  	s7 =	sor.u32 $0xA070, s14;
	[tilespmem:s29+$0x0] =	vst.add.f32.msk $0xffff, v6  }
0x141: {  	s11 =	sor.u32 $0xA000, s14;
	[tilespmem:s7+$0x0] =	vst.add.f32.msk $0xffff, v0  }
0x142: {  	s17 =	sor.u32 $0xA010, s14;
	[tilespmem:s11+$0x0] =	vst.add.f32.msk $0xffff, v2  }
0x143: {  	s21 =	sor.u32 $0xA020, s14;
	[tilespmem:s17+$0x0] =	vst.add.f32.msk $0xffff, v3  }
0x144: {  	s25 =	sor.u32 $0xA030, s14;
	[tilespmem:s21+$0x0] =	vst.add.f32.msk $0xffff, v4  }
0x145: {  	s30 =	sor.u32 $0xA040, s14;
	[tilespmem:s25+$0x0] =	vst.add.f32.msk $0xffff, v5  }
0x146: {  	s8 =	sor.u32 $0xB070, s14;
	[tilespmem:s30+$0x0] =	vst.add.f32.msk $0xffff, v6  }
0x147: {  	[tilespmem:s8+$0x0] =	vst.add.f32.msk $0xffff, v0  }
0x148: {  	s13 =	sor.u32 $0xB000, s14;
	v0 =	vld [tilespmem:s14+$0x10060]  }
0x149: {  	s18 =	sor.u32 $0xB010, s14;
	[tilespmem:s13+$0x0] =	vst.add.f32.msk $0xffff, v2  }
0x14a: {  	s22 =	sor.u32 $0xB020, s14;
	s26 =	sor.u32 $0xB030, s14;
	s2 =	sor.u32 $0xB040, s14;
	[tilespmem:s18+$0x0] =	vst.add.f32.msk $0xffff, v3  }
0x14b: {  	s19 =	sor.u32 $0xB050, s14;
	s16 =	sor.u32 $0xA060, s14;
	s7 =	sor.u32 $0xA050, s14;
	[tilespmem:s22+$0x0] =	vst.add.f32.msk $0xffff, v4  }
0x14c: {  	s17 =	sor.u32 $0x9060, s14;
	[tilespmem:s26+$0x0] =	vst.add.f32.msk $0xffff, v5;
	s13 =	simm.s32 $0x0;
	s22 =	sor.u32 $0x9050, s14  }
0x14d: {  	s18 =	sor.u32 $0x8060, s14;
	[tilespmem:s2+$0x0] =	vst.add.f32.msk $0xffff, v6;
	s26 =	sor.u32 $0xB060, s14;
	s14 =	simm.s32 $0x200  }
.LBB2_7:
0x14e: {  	s0 =	sand.u32 $0xE00, s14;
	[tilespmem:s22+$0x0] =	vst.add.f32.msk $0xffff, v1;
	s12 =	sadd.s32 $0x10, s12  }
0x14f: {  	s1 =	sor.u32 s0, s12;
	[tilespmem:s7+$0x0] =	vst.add.f32.msk $0xffff, v1  }
0x150: {  	s2 =	sand.u32 $0x180, s12;
	s1 =	sor.u32 $0x70, s1;
	[tilespmem:s19+$0x0] =	vst.add.f32.msk $0xffff, v1  }
0x151: {  	s0 =	sor.u32 s2, s0;
	v1 =	vld [tilespmem:s1+$0x10000]  }
0x152: {  	v2 =	vld [tilespmem:s0+$0x10000]  }
0x153: {  	v3 =	vld [tilespmem:s0+$0x10010]  }
0x154: {  	v4 =	vld [tilespmem:s0+$0x10020]  }
0x155: {  	v5 =	vld [tilespmem:s0+$0x10030]  }
0x156: {  	v6 =	vld [tilespmem:s0+$0x10040]  }
0x157: {  	[tilespmem:s18+$0x0] =	vst.add.f32.msk $0xffff, v0  }
0x158: {  	[tilespmem:s17+$0x0] =	vst.add.f32.msk $0xffff, v0  }
0x159: {  	[tilespmem:s16+$0x0] =	vst.add.f32.msk $0xffff, v0  }
0x15a: {  	[tilespmem:s26+$0x0] =	vst.add.f32.msk $0xffff, v0  }
0x15b: {  	[tilespmem:s1+$0x8000] =	vst.add.f32.msk $0xffff, v1  }
0x15c: {  	s2 =	sor.u32 $0x8000, s0;
	v0 =	vld [tilespmem:s0+$0x10060]  }
0x15d: {  	s6 =	sor.u32 $0x8010, s0;
	[tilespmem:s2+$0x0] =	vst.add.f32.msk $0xffff, v2  }
0x15e: {  	s15 =	sor.u32 $0x8020, s0;
	[tilespmem:s6+$0x0] =	vst.add.f32.msk $0xffff, v3  }
0x15f: {  	s29 =	sor.u32 $0x8040, s0;
	[tilespmem:s15+$0x0] =	vst.add.f32.msk $0xffff, v4  }
0x160: {  	s23 =	sor.u32 $0x9070, s0;
	[tilespmem:s29+$0x0] =	vst.add.f32.msk $0xffff, v6  }
0x161: {  	s3 =	sor.u32 $0x9000, s0;
	[tilespmem:s23+$0x0] =	vst.add.f32.msk $0xffff, v1  }
0x162: {  	s8 =	sor.u32 $0x9010, s0;
	[tilespmem:s3+$0x0] =	vst.add.f32.msk $0xffff, v2  }
0x163: {  	s1 =	sor.u32 $0x9020, s0;
	[tilespmem:s8+$0x0] =	vst.add.f32.msk $0xffff, v3  }
0x164: {  	s30 =	sor.u32 $0x9040, s0;
	[tilespmem:s1+$0x0] =	vst.add.f32.msk $0xffff, v4  }
0x165: {  	s24 =	sor.u32 $0xA070, s0;
	[tilespmem:s30+$0x0] =	vst.add.f32.msk $0xffff, v6  }
0x166: {  	s4 =	sor.u32 $0xA000, s0;
	[tilespmem:s24+$0x0] =	vst.add.f32.msk $0xffff, v1  }
0x167: {  	s9 =	sor.u32 $0xA010, s0;
	[tilespmem:s4+$0x0] =	vst.add.f32.msk $0xffff, v2  }
0x168: {  	s20 =	sor.u32 $0xA020, s0;
	[tilespmem:s9+$0x0] =	vst.add.f32.msk $0xffff, v3  }
0x169: {  	s23 =	sor.u32 $0x8030, s0;
	[tilespmem:s20+$0x0] =	vst.add.f32.msk $0xffff, v4  }
0x16a: {  	s31 =	sor.u32 $0xA040, s0;
	[tilespmem:s23+$0x0] =	vst.add.f32.msk $0xffff, v5  }
0x16b: {  	s25 =	sor.u32 $0xB070, s0;
	[tilespmem:s31+$0x0] =	vst.add.f32.msk $0xffff, v6  }
0x16c: {  	[tilespmem:s25+$0x0] =	vst.add.f32.msk $0xffff, v1  }
0x16d: {  	s5 =	sor.u32 $0xB000, s0;
	v1 =	vld [tilespmem:s0+$0x10050]  }
0x16e: {  	s10 =	sor.u32 $0xB010, s0;
	[tilespmem:s5+$0x0] =	vst.add.f32.msk $0xffff, v2  }
0x16f: {  	s13 =	sadd.s32 $0x8, s13;
	s21 =	sor.u32 $0xB020, s0;
	[tilespmem:s10+$0x0] =	vst.add.f32.msk $0xffff, v3  }
0x170: {  	p1 =	slt.u32 s13, $0xF8;
	s24 =	sor.u32 $0x9030, s0;
	[tilespmem:s21+$0x0] =	vst.add.f32.msk $0xffff, v4  }
.Ltmp4:
0x171: {  	s14 =	sadd.s32 $0x200, s14;
	s11 =	sor.u32 $0xB040, s0;
	[tilespmem:s24+$0x0] =	vst.add.f32.msk $0xffff, v5;
	(pc) =	sbr.rel @p1 .LBB2_7-.Ltmp4, $4  }
0x172: {  	s28 =	sor.u32 $0xB030, s0;
	s26 =	sor.u32 $0x8050, s0;
	s25 =	sor.u32 $0xA030, s0;
	[tilespmem:s11+$0x0] =	vst.add.f32.msk $0xffff, v6  }
0x173: {  	s22 =	sor.u32 $0x9050, s0;
	s7 =	sor.u32 $0xA050, s0;
	[dreg:$0x5] =	wrdreg s26;
	[tilespmem:s25+$0x0] =	vst.add.f32.msk $0xffff, v5  }
0x174: {  	s19 =	sor.u32 $0xB050, s0;
	s18 =	sor.u32 $0x8060, s0;
	s31 =	rddreg [dreg:$0x5];
	[tilespmem:s28+$0x0] =	vst.add.f32.msk $0xffff, v5  }
0x175: {  	s17 =	sor.u32 $0x9060, s0;
	s16 =	sor.u32 $0xA060, s0;
	s26 =	sor.u32 $0xB060, s0;
	[tilespmem:s31+$0x0] =	vst.add.f32.msk $0xffff, v1  }
0x176: {  	[tilespmem:s22+$0x0] =	vst.add.f32.msk $0xffff, v1  }
0x177: {  	[tilespmem:s18+$0x0] =	vst.add.f32.msk $0xffff, v0  }
0x178: {  	[tilespmem:s7+$0x0] =	vst.add.f32.msk $0xffff, v1  }
0x179: {  	[tilespmem:s17+$0x0] =	vst.add.f32.msk $0xffff, v0  }
0x17a: {  	[tilespmem:s19+$0x0] =	vst.add.f32.msk $0xffff, v1  }
0x17b: {  	[tilespmem:s16+$0x0] =	vst.add.f32.msk $0xffff, v0  }
0x17c: {  	s0 =	rddreg [dreg:$0x2];
	[tilespmem:s26+$0x0] =	vst.add.f32.msk $0xffff, v0  }
0x17d: {  	s2 =	simm.s32 $0x200;
	s1 =	rddreg [dreg:$0x1b]  }
0x17e: {  	s3 =	simm.s32 $0x400;
	s24 =	simm.s32 $0x8000;
	s0 =	sadd.s32 s0, s1  }
0x17f: {  	[hbm4b:s0+s2] =	stream.strided.scatter [tilespmem:s24], [sflag:$0x7], $0x1000, s3, s2, $0x38;
	[tilespmem:$0x12000] =	vst v63  }
0x180: {  	s4 =	simm.s32 $0x9000;
	s25 =	sadd.s32 $0x100000, s0  }
0x181: {  	[hbm4b:s25+s2] =	stream.strided.scatter [tilespmem:s4], [sflag:$0x7], $0x1000, s3, s2, $0x38;
	[tilespmem:$0x12000] =	vst v63  }
0x182: {  	s28 =	simm.s32 $0xA000;
	s30 =	rddreg [dreg:$0x1c];
	s26 =	sadd.s32 $0x200000, s0  }
0x183: {  	[hbm4b:s26+s2] =	stream.strided.scatter [tilespmem:s28], [sflag:$0x7], $0x1000, s3, s2, $0x38;
	[tilespmem:$0x12000] =	vst v63  }
0x184: {  	s29 =	simm.s32 $0xB000;
	s1 =	sld [smem:$0x7FD];
	s0 =	sadd.s32 $0x300000, s0  }
0x185: {  	[hbm4b:s0+s2] =	stream.strided.scatter [tilespmem:s29], [sflag:$0x7], $0x1000, s3, s2, $0x38;
	[tilespmem:$0x12000] =	vst v63  }
0x186: {  	s0 =	rddreg [dreg:$0x8];
	s2 =	simm.s32 @!p0 $0x200  }
0x187: {  	s3 =	simm.s32 @!p0 $0x400;
	s0 =	sadd.s32 @!p0 s1, s0;
	s1 =	simm.s32 @!p0 $0x10000  }
0x188: {  	[tilespmem:s1], [sflag:$0x9] =	stream.strided.gather @!p0 [hbm4b:s0+s2], $0x1000, s3, s2, $0x38;
	[tilespmem:$0x12000] =	vst v63  }
0x189: {  	s0 =	sadd.s32 $0x5, s30  }
0x18a: {  	s31 =	simm.s32 $0x6;
	[dreg:$0x1d] =	wrdreg s0  }
0x18b: {  	_ =	swait.ge [sflag:s31], $0x4000  }
0x18c: {  	s0 =	sshll.u32 @!p0 s0, $0x9;
	s1 =	rddreg [dreg:$0x7]  }
0x18d: {  	s0 =	sadd.s32 @!p0 s1, s0  }
0x18e: {  	[sflag:s31] =	ssyncset.done $0x0;
	s1 =	rddreg [dreg:$0xf];
	s0 =	sand.u32 @!p0 $0x1FF800, s0  }
0x18f: {  	s4 =	simm.s32 @!p0 $0x4000;
	[sflag:s31] =	ssyncadd.s32 $0xFFFFC000;
	s0 =	sadd.s32 @!p0 s0, s1  }
0x190: {  	[tilespmem:s4], [sflag:$0x2] =	stream.strided.gather @!p0 [hbm4b:s0+s2], $0x1000, s3, s2, $0x38;
	[tilespmem:$0x12000] =	vst v63  }
0x191: {  	s5 =	simm.s32 @!p0 $0x5000;
	s4 =	sadd.s32 @!p0 $0x100000, s0  }
0x192: {  	[tilespmem:s5], [sflag:$0x2] =	stream.strided.gather @!p0 [hbm4b:s4+s2], $0x1000, s3, s2, $0x38;
	[tilespmem:$0x12000] =	vst v63  }
0x193: {  	s4 =	sadd.s32 @!p0 $0x200000, s0;
	s5 =	simm.s32 @!p0 $0x6000  }
0x194: {  	[tilespmem:s5], [sflag:$0x2] =	stream.strided.gather @!p0 [hbm4b:s4+s2], $0x1000, s3, s2, $0x38;
	[tilespmem:$0x12000] =	vst v63  }
0x195: {  	s0 =	sadd.s32 @!p0 $0x300000, s0;
	s4 =	simm.s32 @!p0 $0x7000  }
0x196: {  	[tilespmem:s4], [sflag:$0x2] =	stream.strided.gather @!p0 [hbm4b:s0+s2], $0x1000, s3, s2, $0x38;
	[tilespmem:$0x12000] =	vst v63  }
0x197: {  	s3 =	simm.s32 $0xA  }
0x198: {  	_ =	swait.ge [sflag:s3], $0x1000  }
0x199: {  	[sflag:s3] =	ssyncset.done $0x0  }
0x19a: {  	s2 =	simm.s32 $0x0;
	s4 =	simm.s32 $0x4;
	[sflag:s3] =	ssyncadd.s32 $0xFFFFF000  }
0x19b: {  	s5 =	sand.u32 $0xE00, s2;
	_ =	swait.ge [sflag:s4], $0x4000  }
0x19c: {  	s6 =	sor.u32 s5, s2;
	[sflag:s4] =	ssyncset.done $0x0  }
0x19d: {  	s7 =	sand.u32 $0x180, s2;
	s3 =	sor.u32 $0x70, s6;
	[sflag:s4] =	ssyncadd.s32 $0xFFFFC000  }
0x19e: {  	s12 =	sor.u32 s7, s5;
	v0 =	vld [tilespmem:s3+$0x11000]  }
0x19f: {  	v2 =	vld [tilespmem:s12+$0x11000]  }
0x1a0: {  	v3 =	vld [tilespmem:s12+$0x11010]  }
0x1a1: {  	v4 =	vld [tilespmem:s12+$0x11020]  }
0x1a2: {  	v5 =	vld [tilespmem:s12+$0x11030]  }
0x1a3: {  	v6 =	vld [tilespmem:s12+$0x11040]  }
0x1a4: {  	v1 =	vld [tilespmem:s12+$0x11050]  }
0x1a5: {  	s10 =	sor.u32 $0xC000, s12;
	[tilespmem:s3+$0xC000] =	vst.add.f32.msk $0xffff, v0  }
0x1a6: {  	s15 =	sor.u32 $0xC010, s12;
	[tilespmem:s10+$0x0] =	vst.add.f32.msk $0xffff, v2  }
0x1a7: {  	s19 =	sor.u32 $0xC020, s12;
	[tilespmem:s15+$0x0] =	vst.add.f32.msk $0xffff, v3  }
0x1a8: {  	s23 =	sor.u32 $0xC030, s12;
	[tilespmem:s19+$0x0] =	vst.add.f32.msk $0xffff, v4  }
0x1a9: {  	s28 =	sor.u32 $0xC040, s12;
	[tilespmem:s23+$0x0] =	vst.add.f32.msk $0xffff, v5  }
0x1aa: {  	s31 =	sor.u32 $0xC050, s12;
	[tilespmem:s28+$0x0] =	vst.add.f32.msk $0xffff, v6  }
0x1ab: {  	s0 =	sor.u32 $0xD070, s12;
	[tilespmem:s31+$0x0] =	vst.add.f32.msk $0xffff, v1  }
0x1ac: {  	s11 =	sor.u32 $0xD000, s12;
	[tilespmem:s0+$0x0] =	vst.add.f32.msk $0xffff, v0  }
0x1ad: {  	s16 =	sor.u32 $0xD010, s12;
	[tilespmem:s11+$0x0] =	vst.add.f32.msk $0xffff, v2  }
0x1ae: {  	s20 =	sor.u32 $0xD020, s12;
	[tilespmem:s16+$0x0] =	vst.add.f32.msk $0xffff, v3  }
0x1af: {  	s24 =	sor.u32 $0xD030, s12;
	[tilespmem:s20+$0x0] =	vst.add.f32.msk $0xffff, v4  }
0x1b0: {  	s29 =	sor.u32 $0xD040, s12;
	[tilespmem:s24+$0x0] =	vst.add.f32.msk $0xffff, v5  }
0x1b1: {  	s8 =	sor.u32 $0xE070, s12;
	[tilespmem:s29+$0x0] =	vst.add.f32.msk $0xffff, v6  }
0x1b2: {  	s13 =	sor.u32 $0xE000, s12;
	[tilespmem:s8+$0x0] =	vst.add.f32.msk $0xffff, v0  }
0x1b3: {  	s17 =	sor.u32 $0xE010, s12;
	[tilespmem:s13+$0x0] =	vst.add.f32.msk $0xffff, v2  }
0x1b4: {  	s21 =	sor.u32 $0xE020, s12;
	[tilespmem:s17+$0x0] =	vst.add.f32.msk $0xffff, v3  }
0x1b5: {  	s25 =	sor.u32 $0xE030, s12;
	[tilespmem:s21+$0x0] =	vst.add.f32.msk $0xffff, v4  }
0x1b6: {  	s30 =	sor.u32 $0xE040, s12;
	[tilespmem:s25+$0x0] =	vst.add.f32.msk $0xffff, v5  }
0x1b7: {  	s9 =	sor.u32 $0xF070, s12;
	[tilespmem:s30+$0x0] =	vst.add.f32.msk $0xffff, v6  }
0x1b8: {  	[tilespmem:s9+$0x0] =	vst.add.f32.msk $0xffff, v0  }
0x1b9: {  	s14 =	sor.u32 $0xF000, s12;
	v0 =	vld [tilespmem:s12+$0x11060]  }
0x1ba: {  	s18 =	sor.u32 $0xF010, s12;
	[tilespmem:s14+$0x0] =	vst.add.f32.msk $0xffff, v2  }
0x1bb: {  	s22 =	sor.u32 $0xF020, s12;
	s26 =	sor.u32 $0xF030, s12;
	s7 =	sor.u32 $0xE050, s12;
	[tilespmem:s18+$0x0] =	vst.add.f32.msk $0xffff, v3  }
0x1bc: {  	s4 =	sor.u32 $0xF040, s12;
	s19 =	sor.u32 $0xD050, s12;
	s11 =	simm.s32 $0x0;
	[tilespmem:s22+$0x0] =	vst.add.f32.msk $0xffff, v4  }
0x1bd: {  	s16 =	sor.u32 $0xD060, s12;
	s17 =	sor.u32 $0xC060, s12;
	s13 =	sor.u32 $0xE060, s12;
	[tilespmem:s26+$0x0] =	vst.add.f32.msk $0xffff, v5  }
0x1be: {  	s18 =	sor.u32 $0xF050, s12;
	[tilespmem:s4+$0x0] =	vst.add.f32.msk $0xffff, v6;
	s14 =	sor.u32 $0xF060, s12;
	s12 =	simm.s32 $0x200  }
.LBB2_9:
0x1bf: {  	s0 =	sand.u32 $0xE00, s12;
	[tilespmem:s19+$0x0] =	vst.add.f32.msk $0xffff, v1;
	s2 =	sadd.s32 $0x10, s2  }
0x1c0: {  	s3 =	sor.u32 s0, s2;
	[tilespmem:s7+$0x0] =	vst.add.f32.msk $0xffff, v1  }
0x1c1: {  	s4 =	sand.u32 $0x180, s2;
	s3 =	sor.u32 $0x70, s3;
	[tilespmem:s18+$0x0] =	vst.add.f32.msk $0xffff, v1  }
0x1c2: {  	s0 =	sor.u32 s4, s0;
	v1 =	vld [tilespmem:s3+$0x11000]  }
0x1c3: {  	v2 =	vld [tilespmem:s0+$0x11000]  }
0x1c4: {  	v3 =	vld [tilespmem:s0+$0x11010]  }
0x1c5: {  	v4 =	vld [tilespmem:s0+$0x11020]  }
0x1c6: {  	v5 =	vld [tilespmem:s0+$0x11030]  }
0x1c7: {  	v6 =	vld [tilespmem:s0+$0x11040]  }
0x1c8: {  	[tilespmem:s17+$0x0] =	vst.add.f32.msk $0xffff, v0  }
0x1c9: {  	[tilespmem:s16+$0x0] =	vst.add.f32.msk $0xffff, v0  }
0x1ca: {  	[tilespmem:s13+$0x0] =	vst.add.f32.msk $0xffff, v0  }
0x1cb: {  	[tilespmem:s14+$0x0] =	vst.add.f32.msk $0xffff, v0  }
0x1cc: {  	[tilespmem:s3+$0xC000] =	vst.add.f32.msk $0xffff, v1  }
0x1cd: {  	s4 =	sor.u32 $0xC000, s0;
	v0 =	vld [tilespmem:s0+$0x11060]  }
0x1ce: {  	s9 =	sor.u32 $0xC010, s0;
	[tilespmem:s4+$0x0] =	vst.add.f32.msk $0xffff, v2  }
0x1cf: {  	s21 =	sor.u32 $0xC020, s0;
	[tilespmem:s9+$0x0] =	vst.add.f32.msk $0xffff, v3  }
0x1d0: {  	s24 =	sor.u32 $0xC030, s0;
	[tilespmem:s21+$0x0] =	vst.add.f32.msk $0xffff, v4  }
0x1d1: {  	s29 =	sor.u32 $0xC040, s0;
	[tilespmem:s24+$0x0] =	vst.add.f32.msk $0xffff, v5  }
0x1d2: {  	s16 =	sor.u32 $0xD070, s0;
	[tilespmem:s29+$0x0] =	vst.add.f32.msk $0xffff, v6  }
0x1d3: {  	s5 =	sor.u32 $0xD000, s0;
	[tilespmem:s16+$0x0] =	vst.add.f32.msk $0xffff, v1  }
0x1d4: {  	s10 =	sor.u32 $0xD010, s0;
	[tilespmem:s5+$0x0] =	vst.add.f32.msk $0xffff, v2  }
0x1d5: {  	s3 =	sor.u32 $0xD020, s0;
	[tilespmem:s10+$0x0] =	vst.add.f32.msk $0xffff, v3  }
0x1d6: {  	s25 =	sor.u32 $0xD030, s0;
	[tilespmem:s3+$0x0] =	vst.add.f32.msk $0xffff, v4  }
0x1d7: {  	s30 =	sor.u32 $0xD040, s0;
	[tilespmem:s25+$0x0] =	vst.add.f32.msk $0xffff, v5  }
0x1d8: {  	s17 =	sor.u32 $0xE070, s0;
	[tilespmem:s30+$0x0] =	vst.add.f32.msk $0xffff, v6  }
0x1d9: {  	s6 =	sor.u32 $0xE000, s0;
	[tilespmem:s17+$0x0] =	vst.add.f32.msk $0xffff, v1  }
0x1da: {  	s15 =	sor.u32 $0xE010, s0;
	[tilespmem:s6+$0x0] =	vst.add.f32.msk $0xffff, v2  }
0x1db: {  	s22 =	sor.u32 $0xE020, s0;
	[tilespmem:s15+$0x0] =	vst.add.f32.msk $0xffff, v3  }
0x1dc: {  	s26 =	sor.u32 $0xE030, s0;
	[tilespmem:s22+$0x0] =	vst.add.f32.msk $0xffff, v4  }
0x1dd: {  	s31 =	sor.u32 $0xE040, s0;
	[tilespmem:s26+$0x0] =	vst.add.f32.msk $0xffff, v5  }
0x1de: {  	s18 =	sor.u32 $0xF070, s0;
	[tilespmem:s31+$0x0] =	vst.add.f32.msk $0xffff, v6  }
0x1df: {  	[tilespmem:s18+$0x0] =	vst.add.f32.msk $0xffff, v1  }
0x1e0: {  	s11 =	sadd.s32 $0x8, s11;
	s8 =	sor.u32 $0xF000, s0;
	v1 =	vld [tilespmem:s0+$0x11050]  }
0x1e1: {  	p1 =	slt.u32 s11, $0xF8;
	s20 =	sor.u32 $0xF010, s0;
	[tilespmem:s8+$0x0] =	vst.add.f32.msk $0xffff, v2  }
.Ltmp5:
0x1e2: {  	s12 =	sadd.s32 $0x200, s12;
	s23 =	sor.u32 $0xF020, s0;
	[tilespmem:s20+$0x0] =	vst.add.f32.msk $0xffff, v3;
	(pc) =	sbr.rel @p1 .LBB2_9-.Ltmp5, $4  }
0x1e3: {  	s28 =	sor.u32 $0xF030, s0;
	s1 =	sor.u32 $0xF040, s0;
	s19 =	sor.u32 $0xC050, s0;
	[tilespmem:s23+$0x0] =	vst.add.f32.msk $0xffff, v4  }
0x1e4: {  	s7 =	sor.u32 $0xE050, s0;
	[dreg:$0x6] =	wrdreg s19;
	s19 =	sor.u32 $0xD050, s0;
	[tilespmem:s28+$0x0] =	vst.add.f32.msk $0xffff, v5  }
0x1e5: {  	s13 =	sor.u32 $0xE060, s0;
	s14 =	sor.u32 $0xF060, s0;
	s31 =	rddreg [dreg:$0x6];
	[tilespmem:s1+$0x0] =	vst.add.f32.msk $0xffff, v6  }
0x1e6: {  	s16 =	sor.u32 $0xD060, s0;
	s17 =	sor.u32 $0xC060, s0;
	s18 =	sor.u32 $0xF050, s0;
	[tilespmem:s31+$0x0] =	vst.add.f32.msk $0xffff, v1  }
0x1e7: {  	[tilespmem:s19+$0x0] =	vst.add.f32.msk $0xffff, v1  }
0x1e8: {  	[tilespmem:s17+$0x0] =	vst.add.f32.msk $0xffff, v0  }
0x1e9: {  	[tilespmem:s7+$0x0] =	vst.add.f32.msk $0xffff, v1  }
0x1ea: {  	[tilespmem:s16+$0x0] =	vst.add.f32.msk $0xffff, v0  }
0x1eb: {  	[tilespmem:s18+$0x0] =	vst.add.f32.msk $0xffff, v1  }
0x1ec: {  	[tilespmem:s13+$0x0] =	vst.add.f32.msk $0xffff, v0  }
0x1ed: {  	s0 =	rddreg [dreg:$0x2];
	[tilespmem:s14+$0x0] =	vst.add.f32.msk $0xffff, v0  }
0x1ee: {  	s3 =	simm.s32 $0x200;
	s1 =	rddreg [dreg:$0x1a]  }
0x1ef: {  	s4 =	simm.s32 $0x400;
	s26 =	simm.s32 $0xC000;
	s0 =	sadd.s32 s0, s1  }
0x1f0: {  	[hbm4b:s0+s3] =	stream.strided.scatter [tilespmem:s26], [sflag:$0x8], $0x1000, s4, s3, $0x38;
	[tilespmem:$0x12000] =	vst v63  }
0x1f1: {  	s2 =	simm.s32 $0xD000;
	s28 =	sadd.s32 $0x100000, s0  }
0x1f2: {  	[hbm4b:s28+s3] =	stream.strided.scatter [tilespmem:s2], [sflag:$0x8], $0x1000, s4, s3, $0x38;
	[tilespmem:$0x12000] =	vst v63  }
.Ltmp6:
0x1f3: {  	_ = 	snop;
	(pc) =	sbr.rel @p0 .LBB2_12-.Ltmp6, $4  }
0x1f4: {  	s30 =	simm.s32 $0xE000;
	s29 =	sadd.s32 $0x200000, s0  }
0x1f5: {  	[hbm4b:s29+s3] =	stream.strided.scatter [tilespmem:s30], [sflag:$0x8], $0x1000, s4, s3, $0x38;
	[tilespmem:$0x12000] =	vst v63  }
0x1f6: {  	s31 =	simm.s32 $0xF000;
	s0 =	sadd.s32 $0x300000, s0  }
0x1f7: {  	[hbm4b:s0+s3] =	stream.strided.scatter [tilespmem:s31], [sflag:$0x8], $0x1000, s4, s3, $0x38;
	[tilespmem:$0x12000] =	vst v63  }
0x1f8: {  	s0 =	rddreg [dreg:$0x1d]  }
.Ltmp7:
0x1f9: {  	s1 =	rddreg [dreg:$0x7];
	s0 =	sshll.u32 s0, $0x9;
	(pc) =	sbr.rel .LBB2_2-.Ltmp7, $4  }
0x1fa: {  	s29 =	rddreg [dreg:$0x10];
	s0 =	sadd.s32 s1, s0  }
0x1fb: {  	s31 =	rddreg [dreg:$0x19];
	s0 =	sand.u32 $0x1FF800, s0  }
0x1fc: {  	s30 =	simm.s32 $0x11000;
	s1 =	sadd.s32 $0x1, s31;
	s0 =	sadd.s32 s0, s29  }
0x1fd: {  	[tilespmem:s30], [sflag:$0xA] =	stream.strided.gather [hbm4b:s0+s3], $0x1000, s4, s3, $0x38;
	[tilespmem:$0x12000] =	vst v63  }
.LBB2_13:
0x1fe: {  	_ =	sfence.sel $0x180000  }
0x1ff: {  	[bflag:$0x0] =	sbarrier.arrive $0xFFFF  }
0x200: {  	_ =	strace $0x90000047  }
0x201: {  	s0 =	stileid.u32;
	[bflag:$0x2] =	sbarrier.arrive $0xFFFF  }
0x202: {  	p0 =	sne.s32 s0, $0x0;
	s0 =	rddreg [dreg:$0x3]  }
0x203: {  	s0 =	sadd.s32 @!p0 $0x100000, s0  }
0x204: {  	[sflag:s0] =	ssyncadd.tile.s32 @!p0 $0x1;
	_ =	shalt  }
.Lfunc_end2:
_tile_overlayer_lowered:
.L_overlay_start_2:
0x205: {  	(tag) =	ssettag $0x2  }
0x206: {  	s0 =	rddreg [dreg:$0x0];
	s2 =	stileid.u32  }
0x207: {  	s1 =	rddreg [dreg:$0x1];
	p0 =	sne.s32 s2, $0x0  }
0x208: {  	s3 =	rddreg [dreg:$0x2];
	[bflag:$0x3] =	sbarrier.arrive $0xFFFF;
	s2 =	simm.s32 @!p0 $0x1C0B  }
0x209: {  	[timem:s3], [sflag:s2] =	dma.local @!p0 [hbm:s0], s1  }
0x20a: {  	s0 =	simm.s32 @!p0 $0xB  }
0x20b: {  	_ =	swait.ge @!p0 [sflag:s0], s1  }
0x20c: {  	s1 =	ssub.s32 @!p0 $0x0, s1;
	[sflag:s0] =	ssyncset.done @!p0 $0x0  }
0x20d: {  	[sflag:s0] =	ssyncadd.s32 @!p0 s1  }
0x20e: {  	[bflag:$0x3] =	sbarrier.arrive $0xFFFF  }
0x20f: {  	_ =	shalt  }

</sc_bundles>
